<compile_context>
chip_gen: v7x
topology: tpu7x:2x2x1
jax: 0.10.2.dev20260603
libtpu: 0.0.44.dev20260713+nightly
codegen_flags: <defaults>
</compile_context>

<pallas_src>
import functools

import jax
import jax.numpy as jnp
from jax import lax
from jax.experimental import pallas as pl
from jax.experimental.pallas import tpu as pltpu
from jax.experimental.pallas import tpu_sc as plsc

_NC = 2
_NS = 16
_NW = _NC * _NS


def _prep_pos_kernel(msgord_ref, fact_ref, xw2_ref, inp_ref,
                     fp_ref, pos_ref, offs_ref, tlohi_ref,
                     hist_ref, fpbuf_ref, idsbuf_ref,
                     *, order_static, num_tiles, tile_rows, num_ids):
    ph = pl.program_id(0)
    t = pl.program_id(1)
    tf = tile_rows
    ppad = offs_ref.shape[0]

    @pl.when((ph == 0) & (t == 0))
    def _():
        hist_ref[...] = jnp.zeros_like(hist_ref)

    @pl.when(ph == 0)
    def _():
        msg_to_s = msgord_ref[0]
        order_s = msgord_ref[1]
        fp = jnp.ones_like(inp_ref[0])
        for i in range(order_static):
            m = jnp.where((i < order_s) & (i != msg_to_s), 1.0, 0.0)
            fp = fp * (inp_ref[i] * m + (1.0 - m))
        fp_ref[...] = fp
        fpbuf_ref[pl.ds(t * tf, tf), :] = fp

        f0 = fact_ref[:, 0]
        f0a = f0 // 128
        f0b = f0 - f0a * 128
        iota_c = lax.broadcasted_iota(jnp.int32, (tf, 128), 1)
        ohb = (iota_c == f0b[:, None]).astype(jnp.bfloat16)
        v = jnp.dot(ohb, xw2_ref[:],
                    preferred_element_type=jnp.float32)
        mm = ((iota_c == f0a[:, None]).astype(jnp.float32) * v)
        iota_r = lax.broadcasted_iota(jnp.int32, (128, 128), 1)
        ones_col = (iota_r == 0).astype(jnp.bfloat16)
        ids_i = jnp.dot(mm.astype(jnp.bfloat16), ones_col,
                        preferred_element_type=jnp.float32)[:, 0].astype(
                            jnp.int32)
        idsbuf_ref[t, :] = ids_i

        iota_p = lax.broadcasted_iota(jnp.int32, (tf, ppad), 1)
        oh = (iota_p == ids_i[:, None]).astype(jnp.float32)
        hist_ref[0, :] = hist_ref[0, :] + jnp.sum(oh, axis=0)
        pos_ref[...] = jnp.zeros_like(pos_ref)

        @pl.when(t == num_tiles - 1)
        def _():
            hist = hist_ref[0, :]
            r = lax.broadcasted_iota(jnp.int32, (ppad, ppad), 0)
            c = lax.broadcasted_iota(jnp.int32, (ppad, ppad), 1)
            ut = (r < c).astype(jnp.float32)
            offs_f = jnp.dot(hist[None, :], ut,
                             preferred_element_type=jnp.float32)[0]
            offs_ref[...] = offs_f.astype(jnp.int32)
            hist_ref[1, :] = offs_f
            hist_ref[2, :] = jnp.zeros((ppad,), jnp.float32)
            tvals = (lax.broadcasted_iota(jnp.int32, (128, ppad), 0)
                     * tf).astype(jnp.float32)
            lo = jnp.sum(offs_f[None, :] <= tvals, axis=1).astype(jnp.int32) - 1
            hiv = jnp.sum(offs_f[None, :] <= tvals + (tf - 1.0),
                          axis=1).astype(jnp.int32) - 1
            tlohi_ref[...] = jnp.concatenate([lo[None, :], hiv[None, :]],
                                             axis=0)

    @pl.when(ph == 1)
    def _():
        fp_ref[...] = fpbuf_ref[pl.ds(t * tf, tf), :]
        ids_i = idsbuf_ref[t, :]
        iota_p = lax.broadcasted_iota(jnp.int32, (tf, ppad), 1)
        oh = (iota_p == ids_i[:, None]).astype(jnp.float32)
        offs_f = hist_ref[1, :]
        run = hist_ref[2, :]
        sub = 128
        r = lax.broadcasted_iota(jnp.int32, (sub, sub), 0)
        c = lax.broadcasted_iota(jnp.int32, (sub, sub), 1)
        lt = (c < r).astype(jnp.bfloat16)
        for s in range(tf // sub):
            ohs = oh[s * sub:(s + 1) * sub]
            ms = jnp.dot(lt, ohs.astype(jnp.bfloat16),
                         preferred_element_type=jnp.float32)
            posv = jnp.sum((ms + (run + offs_f)[None, :]) * ohs, axis=1)
            pos_ref[0, s, :] = posv.astype(jnp.int32)
            run = run + jnp.sum(ohs, axis=0)
        hist_ref[2, :] = run


def _make_permute_rows(F, D, gather):
    chunk = F // _NW
    k = chunk // 128
    mesh = plsc.VectorSubcoreMesh(core_axis_name="c", subcore_axis_name="s")

    @functools.partial(
        pl.kernel, mesh=mesh,
        out_type=jax.ShapeDtypeStruct((F, D), jnp.float32),
        scratch_types=[
            pltpu.VMEM((k, 128), jnp.int32),
            pltpu.VMEM((chunk, D), jnp.float32),
            pltpu.SemaphoreType.DMA,
        ],
    )
    def permute(rows_hbm, pos_hbm, out_hbm, idx_v, rows_v, sem):
        wid = lax.axis_index("s") * _NC + lax.axis_index("c")
        base = wid * chunk
        pltpu.sync_copy(pos_hbm.at[pl.ds(wid * k, k)], idx_v)
        if gather:
            for j in range(k):
                pltpu.async_copy(rows_hbm.at[idx_v.at[j]],
                                 rows_v.at[pl.ds(j * 128, 128)], sem).wait()
            pltpu.sync_copy(rows_v, out_hbm.at[pl.ds(base, chunk)])
        else:
            pltpu.sync_copy(rows_hbm.at[pl.ds(base, chunk)], rows_v)
            for j in range(k):
                pltpu.async_copy(rows_v.at[pl.ds(j * 128, 128)],
                                 out_hbm.at[idx_v.at[j]], sem).wait()

    return permute


def _seg_mm_kernel(offs_ref, tlohi_ref, offsv_ref, fps_ref, params_ref,
                   bias_ref, out_ref, *, tile_rows, num_ids, kc):
    t = pl.program_id(0)
    tf = tile_rows
    ppad = offsv_ref.shape[0]
    lo = tlohi_ref[0, t]
    hi = tlohi_ref[1, t]
    fpsb = fps_ref[...].astype(jnp.bfloat16)
    r_glob = lax.broadcasted_iota(jnp.int32, (tf,), 0) + t * tf
    offs_v = offsv_ref[:]
    idrow = jnp.sum((offs_v[None, :] <= r_glob[:, None]).astype(jnp.int32),
                    axis=1) - 1
    iota_p = lax.broadcasted_iota(jnp.int32, (tf, ppad), 1)
    oh_s = (iota_p == idrow[:, None]).astype(jnp.bfloat16)
    acc0 = jnp.dot(oh_s, bias_ref[:], preferred_element_type=jnp.float32)

    def chunk(c, acc):
        s = lo + c * kc
        p0 = jnp.minimum(s, num_ids - kc)
        delta = s - p0
        w2 = params_ref[pl.ds(p0, kc)].reshape(kc * fpsb.shape[1],
                                               -1).astype(jnp.bfloat16)
        cols = []
        for k in range(kc):
            o0 = offs_ref[p0 + k]
            o1 = offs_ref[p0 + k + 1]
            mk = (r_glob >= o0) & (r_glob < o1) & (k >= delta)
            cols.append(fpsb * mk.astype(jnp.bfloat16)[:, None])
        xx = jnp.concatenate(cols, axis=1)
        return acc + jnp.dot(xx, w2, preferred_element_type=jnp.float32)

    nch = (hi - lo) // kc + 1
    out_ref[...] = lax.fori_loop(0, nch, chunk, acc0)


def kernel(x, fact, inp, msg_to, order, params, bias):
    num_ids, H, O = params.shape
    order_static, F, _ = inp.shape
    n_rows = x.shape[0]

    msgord = jnp.stack([jnp.asarray(msg_to, jnp.int32),
                        jnp.asarray(order, jnp.int32)])

    m_atoms = int(round(float(num_ids) ** 0.5))
    xw = (x[:, 1] * m_atoms + x[:, 2]).astype(jnp.float32)
    na = 8
    xw_pad = jnp.zeros((na * 128,), jnp.float32).at[:n_rows].set(xw)
    xw2 = jnp.zeros((128, 128), jnp.bfloat16).at[:, :na].set(
        xw_pad.reshape(na, 128).T.astype(jnp.bfloat16))

    ppad = 256
    TF = 512
    nt = F // TF

    fp, pos2d, offs, tlohi = pl.pallas_call(
        functools.partial(_prep_pos_kernel, order_static=order_static,
                          num_tiles=nt, tile_rows=TF, num_ids=num_ids),
        grid=(2, nt),
        in_specs=[
            pl.BlockSpec(memory_space=pltpu.SMEM),
            pl.BlockSpec((TF, 2), lambda ph, t: (t, 0)),
            pl.BlockSpec((128, 128), lambda ph, t: (0, 0)),
            pl.BlockSpec((order_static, TF, H),
                         lambda ph, t: (0, t * (1 - ph), 0)),
        ],
        out_specs=[
            pl.BlockSpec((TF, H), lambda ph, t: (t, 0)),
            pl.BlockSpec((1, TF // 128, 128), lambda ph, t: (t, 0, 0)),
            pl.BlockSpec((ppad,), lambda ph, t: (0,)),
            pl.BlockSpec((2, 128), lambda ph, t: (0, 0)),
        ],
        out_shape=[
            jax.ShapeDtypeStruct((F, H), jnp.float32),
            jax.ShapeDtypeStruct((nt, TF // 128, 128), jnp.int32),
            jax.ShapeDtypeStruct((ppad,), jnp.int32),
            jax.ShapeDtypeStruct((2, 128), jnp.int32),
        ],
        scratch_shapes=[
            pltpu.VMEM((8, ppad), jnp.float32),
            pltpu.VMEM((F, H), jnp.float32),
            pltpu.VMEM((nt, TF), jnp.int32),
        ],
    )(msgord, fact, xw2, inp)
    pos2d = pos2d.reshape(F // 128, 128)

    fp_sorted = _make_permute_rows(F, H, gather=False)(fp, pos2d)

    KC = 16
    bias_pad = jnp.zeros((ppad, O), jnp.bfloat16).at[:num_ids].set(
        bias.reshape(num_ids, O).astype(jnp.bfloat16))
    out_sorted = pl.pallas_call(
        functools.partial(_seg_mm_kernel, tile_rows=TF, num_ids=num_ids,
                          kc=KC),
        grid=(nt,),
        in_specs=[
            pl.BlockSpec(memory_space=pltpu.SMEM),
            pl.BlockSpec(memory_space=pltpu.SMEM),
            pl.BlockSpec((ppad,), lambda t: (0,)),
            pl.BlockSpec((TF, H), lambda t: (t, 0)),
            pl.BlockSpec((num_ids, H, O), lambda t: (0, 0, 0)),
            pl.BlockSpec((ppad, O), lambda t: (0, 0)),
        ],
        out_specs=pl.BlockSpec((TF, O), lambda t: (t, 0)),
        out_shape=jax.ShapeDtypeStruct((F, O), jnp.float32),
    )(offs, tlohi, offs, fp_sorted, params, bias_pad)

    out = _make_permute_rows(F, O, gather=True)(out_sorted, pos2d)
    return out

# --- scband reference (transcript-rebuilt; emitter-appended) ---
"""Pipeline reference for scband-high-order-net-37752762531918 (READ-ONLY COPY).

The authoritative reference and input builder live on the scoring server;
editing this copy changes nothing except your own understanding.
"""

import jax, jax.numpy as jnp
import numpy as np

MAX_NUM_ATOMS = 13
NUM_PARAMS = MAX_NUM_ATOMS ** 2

def setup_inputs(seed: int = 0) -> dict:
    key = jax.random.key(seed)
    k1, k2, k3, k4, k5 = jax.random.split(key, 5)
    N = 1000   # number of rows in x
    F = 8192   # number of facts
    H = 128    # hidden_dim
    O = 128    # out_dim
    ORDER = 3
    x = jax.random.randint(k1, (N, 3), 0, MAX_NUM_ATOMS)
    fact = jax.random.randint(k2, (F, 2), 0, N)
    inp = jax.random.normal(k3, (ORDER, F, H), dtype=jnp.float32)
    params = jax.random.normal(k4, (NUM_PARAMS, H, O), dtype=jnp.float32) * 0.02
    bias = jax.random.normal(k5, (NUM_PARAMS, 1, O), dtype=jnp.float32) * 0.02
    return {"x": x, "fact": fact, "inp": inp, "msg_to": 0, "order": ORDER, "params": params, "bias": bias}

def reference(x, fact, inp, msg_to, order, params, bias):
    num_params, H, O = params.shape
    # product over all inp slices except msg_to
    order_static = inp.shape[0]
    idx = jnp.arange(order_static)
    mask = (idx < order) & (idx != msg_to)
    fact_val = jnp.where(mask[:, None, None], inp, jnp.ones((), dtype=inp.dtype))
    fact_prod = jnp.prod(fact_val, axis=0)                # [F, H]
    # gather atom pairs via fact's first column
    atom_pairs = x[fact[:, 0]][:, 1:]                     # [F, 2]
    ids = atom_pairs[:, 0] * MAX_NUM_ATOMS + atom_pairs[:, 1]  # [F]
    # per-fact weight matrix gather (embedding-style lookup of H*O rows)
    weights = params.reshape(num_params, H * O)[ids]      # [F, H*O]
    b = bias[ids]                                         # [F, 1, O]
    params_cat = weights.reshape(-1, H, O)                # [F, H, O]
    transform = jnp.matmul(fact_prod[:, None, :], params_cat) + b  # [F, 1, O]
    return transform.squeeze(1)                           # [F, O]

if __name__ == "__main__":
    import jax
    _d = setup_inputs()
    print(jax.jit(kernel)(*tuple(_d.values())))

</pallas_src>

<mosaic_0001>
#map = affine_map<(d0, d1) -> (0, 0)>
module attributes {stable_mosaic.version = 14 : i64} {
  func.func @permute(%arg0: i32, %arg1: i32, %arg2: memref<8192x128xf32, #tpu.memory_space<hbm>>, %arg3: memref<64x128xi32, #tpu.memory_space<hbm>>, %arg4: memref<8192x128xf32, #tpu.memory_space<hbm>>, %arg5: memref<2x128xi32, #tpu.memory_space<vmem>>, %arg6: memref<256x128xf32, #tpu.memory_space<vmem>>, %arg7: memref<!tpu.dma_semaphore, #tpu.memory_space<semaphore_mem>>) attributes {dimension_semantics = [#tpu.dimension_semantics<core_parallel>, #tpu.dimension_semantics<subcore_parallel>], iteration_bounds = array<i64: 2, 16>, scalar_prefetch = 0 : i64, scratch_operands = 3 : i64, tpu.core_type = #tpu.core_type<sc_vector_subcore>, window_params = [{transform_indices = #map}, {transform_indices = #map}, {transform_indices = #map}]} {
    %mul3A = arith.constant 2 : i32
    %mul3A_0 = arith.muli %arg1, %mul3A : i32
    %add3A = arith.addi %mul3A_0, %arg0 : i32
    %mul3A_1 = arith.constant 256 : i32
    %mul3A_2 = arith.muli %add3A, %mul3A_1 : i32
    %mul3A_3 = arith.constant 2 : i32
    %mul3A_4 = arith.muli %add3A, %mul3A_3 : i32
    "tpu.region"() ({
      %run_scoped3A = tpu.sem_alloc : memref<!tpu.dma_semaphore, #tpu.memory_space<semaphore_mem>>
      %dma_start3A_43 = arith.constant 0 : i32
      %dma_start3A_44 = tpu.memref_slice %arg3[%mul3A_4, %dma_start3A_43] : memref<64x128xi32, #tpu.memory_space<hbm>> -> memref<2x128xi32, #tpu.memory_space<hbm>>
      %dma_start3A_45 = arith.constant 0 : i32
      %dma_start3A_46 = tpu.memref_slice %arg3[%mul3A_4, %dma_start3A_45] : memref<64x128xi32, #tpu.memory_space<hbm>> -> memref<2x128xi32, #tpu.memory_space<hbm>>
      tpu.enqueue_dma source(%dma_start3A_46 : memref<2x128xi32, #tpu.memory_space<hbm>>) target(%arg5 : memref<2x128xi32, #tpu.memory_space<vmem>>) target_semaphore(%run_scoped3A : memref<!tpu.dma_semaphore, #tpu.memory_space<semaphore_mem>>)
      %dma_wait3A_47 = arith.constant 0 : i32
      %dma_wait3A_48 = tpu.memref_slice %arg3[%mul3A_4, %dma_wait3A_47] : memref<64x128xi32, #tpu.memory_space<hbm>> -> memref<2x128xi32, #tpu.memory_space<hbm>>
      %dma_wait3A_49 = arith.constant 0 : i32
      %dma_wait3A_50 = tpu.memref_slice %arg3[%mul3A_4, %dma_wait3A_49] : memref<64x128xi32, #tpu.memory_space<hbm>> -> memref<2x128xi32, #tpu.memory_space<hbm>>
      tpu.wait_dma2 semaphore(%run_scoped3A : memref<!tpu.dma_semaphore, #tpu.memory_space<semaphore_mem>>) src(%dma_wait3A_50 : memref<2x128xi32, #tpu.memory_space<hbm>>) dst(%arg5 : memref<2x128xi32, #tpu.memory_space<vmem>>)
      tpu.yield
    }) : () -> ()
    "tpu.region"() ({
      %run_scoped3A = tpu.sem_alloc : memref<!tpu.dma_semaphore, #tpu.memory_space<semaphore_mem>>
      %dma_start3A_43 = arith.constant 0 : i32
      %dma_start3A_44 = tpu.memref_slice %arg2[%mul3A_2, %dma_start3A_43] : memref<8192x128xf32, #tpu.memory_space<hbm>> -> memref<256x128xf32, #tpu.memory_space<hbm>>
      %dma_start3A_45 = arith.constant 0 : i32
      %dma_start3A_46 = tpu.memref_slice %arg2[%mul3A_2, %dma_start3A_45] : memref<8192x128xf32, #tpu.memory_space<hbm>> -> memref<256x128xf32, #tpu.memory_space<hbm>>
      tpu.enqueue_dma source(%dma_start3A_46 : memref<256x128xf32, #tpu.memory_space<hbm>>) target(%arg6 : memref<256x128xf32, #tpu.memory_space<vmem>>) target_semaphore(%run_scoped3A : memref<!tpu.dma_semaphore, #tpu.memory_space<semaphore_mem>>)
      %dma_wait3A_47 = arith.constant 0 : i32
      %dma_wait3A_48 = tpu.memref_slice %arg2[%mul3A_2, %dma_wait3A_47] : memref<8192x128xf32, #tpu.memory_space<hbm>> -> memref<256x128xf32, #tpu.memory_space<hbm>>
      %dma_wait3A_49 = arith.constant 0 : i32
      %dma_wait3A_50 = tpu.memref_slice %arg2[%mul3A_2, %dma_wait3A_49] : memref<8192x128xf32, #tpu.memory_space<hbm>> -> memref<256x128xf32, #tpu.memory_space<hbm>>
      tpu.wait_dma2 semaphore(%run_scoped3A : memref<!tpu.dma_semaphore, #tpu.memory_space<semaphore_mem>>) src(%dma_wait3A_50 : memref<256x128xf32, #tpu.memory_space<hbm>>) dst(%arg6 : memref<256x128xf32, #tpu.memory_space<vmem>>)
      tpu.yield
    }) : () -> ()
    %dma_start3A = arith.constant 0 : i32
    %dma_start3A_5 = arith.constant 0 : i32
    %dma_start3A_6 = arith.constant 0 : i32
    %dma_start3A_7 = tpu.memref_slice %arg6[%dma_start3A_5, %dma_start3A_6] : memref<256x128xf32, #tpu.memory_space<vmem>> -> memref<128x128xf32, #tpu.memory_space<vmem>>
    %dma_start3A_8 = arith.constant 0 : i32
    %dma_start3A_9 = tpu.memref_slice %arg5[%dma_start3A, %dma_start3A_8] : memref<2x128xi32, #tpu.memory_space<vmem>> -> memref<1x128xi32, #tpu.memory_space<vmem>>
    %dma_start3A_10 = tpu.memref_squeeze %dma_start3A_9 : memref<1x128xi32, #tpu.memory_space<vmem>> -> memref<128xi32, #tpu.memory_space<vmem>>
    %dma_start3A_11 = arith.constant 0 : i32
    %dma_start3A_12 = arith.constant 0 : i32
    %dma_start3A_13 = tpu.memref_slice %arg4[%dma_start3A_11, %dma_start3A_12] : memref<8192x128xf32, #tpu.memory_space<hbm>> -> memref<8192x128xf32, #tpu.memory_space<hbm>>
    tpu.enqueue_indirect_dma source(%dma_start3A_7 : memref<128x128xf32, #tpu.memory_space<vmem>>) target(%dma_start3A_13 : memref<8192x128xf32, #tpu.memory_space<hbm>>) offsets(%dma_start3A_10 : memref<128xi32, #tpu.memory_space<vmem>>) semaphore(%arg7 : memref<!tpu.dma_semaphore, #tpu.memory_space<semaphore_mem>>)
    %dma_wait3A = arith.constant 0 : i32
    %dma_wait3A_14 = arith.constant 0 : i32
    %dma_wait3A_15 = arith.constant 0 : i32
    %dma_wait3A_16 = tpu.memref_slice %arg6[%dma_wait3A_14, %dma_wait3A_15] : memref<256x128xf32, #tpu.memory_space<vmem>> -> memref<128x128xf32, #tpu.memory_space<vmem>>
    %dma_wait3A_17 = arith.constant 0 : i32
    %dma_wait3A_18 = tpu.memref_slice %arg5[%dma_wait3A, %dma_wait3A_17] : memref<2x128xi32, #tpu.memory_space<vmem>> -> memref<1x128xi32, #tpu.memory_space<vmem>>
    %dma_wait3A_19 = tpu.memref_squeeze %dma_wait3A_18 : memref<1x128xi32, #tpu.memory_space<vmem>> -> memref<128xi32, #tpu.memory_space<vmem>>
    %dma_wait3A_20 = arith.constant 0 : i32
    %dma_wait3A_21 = arith.constant 0 : i32
    %dma_wait3A_22 = tpu.memref_slice %arg4[%dma_wait3A_20, %dma_wait3A_21] : memref<8192x128xf32, #tpu.memory_space<hbm>> -> memref<8192x128xf32, #tpu.memory_space<hbm>>
    tpu.wait_indirect_dma semaphore(%arg7 : memref<!tpu.dma_semaphore, #tpu.memory_space<semaphore_mem>>) src(%dma_wait3A_16 : memref<128x128xf32, #tpu.memory_space<vmem>>) dst(%dma_wait3A_22 : memref<8192x128xf32, #tpu.memory_space<hbm>>)
    %dma_start3A_23 = arith.constant 1 : i32
    %dma_start3A_24 = arith.constant 128 : i32
    %dma_start3A_25 = arith.constant 0 : i32
    %dma_start3A_26 = tpu.memref_slice %arg6[%dma_start3A_24, %dma_start3A_25] : memref<256x128xf32, #tpu.memory_space<vmem>> -> memref<128x128xf32, #tpu.memory_space<vmem>>
    %dma_start3A_27 = arith.constant 0 : i32
    %dma_start3A_28 = tpu.memref_slice %arg5[%dma_start3A_23, %dma_start3A_27] : memref<2x128xi32, #tpu.memory_space<vmem>> -> memref<1x128xi32, #tpu.memory_space<vmem>>
    %dma_start3A_29 = tpu.memref_squeeze %dma_start3A_28 : memref<1x128xi32, #tpu.memory_space<vmem>> -> memref<128xi32, #tpu.memory_space<vmem>>
    %dma_start3A_30 = arith.constant 0 : i32
    %dma_start3A_31 = arith.constant 0 : i32
    %dma_start3A_32 = tpu.memref_slice %arg4[%dma_start3A_30, %dma_start3A_31] : memref<8192x128xf32, #tpu.memory_space<hbm>> -> memref<8192x128xf32, #tpu.memory_space<hbm>>
    tpu.enqueue_indirect_dma source(%dma_start3A_26 : memref<128x128xf32, #tpu.memory_space<vmem>>) target(%dma_start3A_32 : memref<8192x128xf32, #tpu.memory_space<hbm>>) offsets(%dma_start3A_29 : memref<128xi32, #tpu.memory_space<vmem>>) semaphore(%arg7 : memref<!tpu.dma_semaphore, #tpu.memory_space<semaphore_mem>>)
    %dma_wait3A_33 = arith.constant 1 : i32
    %dma_wait3A_34 = arith.constant 128 : i32
    %dma_wait3A_35 = arith.constant 0 : i32
    %dma_wait3A_36 = tpu.memref_slice %arg6[%dma_wait3A_34, %dma_wait3A_35] : memref<256x128xf32, #tpu.memory_space<vmem>> -> memref<128x128xf32, #tpu.memory_space<vmem>>
    %dma_wait3A_37 = arith.constant 0 : i32
    %dma_wait3A_38 = tpu.memref_slice %arg5[%dma_wait3A_33, %dma_wait3A_37] : memref<2x128xi32, #tpu.memory_space<vmem>> -> memref<1x128xi32, #tpu.memory_space<vmem>>
    %dma_wait3A_39 = tpu.memref_squeeze %dma_wait3A_38 : memref<1x128xi32, #tpu.memory_space<vmem>> -> memref<128xi32, #tpu.memory_space<vmem>>
    %dma_wait3A_40 = arith.constant 0 : i32
    %dma_wait3A_41 = arith.constant 0 : i32
    %dma_wait3A_42 = tpu.memref_slice %arg4[%dma_wait3A_40, %dma_wait3A_41] : memref<8192x128xf32, #tpu.memory_space<hbm>> -> memref<8192x128xf32, #tpu.memory_space<hbm>>
    tpu.wait_indirect_dma semaphore(%arg7 : memref<!tpu.dma_semaphore, #tpu.memory_space<semaphore_mem>>) src(%dma_wait3A_36 : memref<128x128xf32, #tpu.memory_space<vmem>>) dst(%dma_wait3A_42 : memref<8192x128xf32, #tpu.memory_space<hbm>>)
    return
  }
}

#map = affine_map<(d0, d1) -> (0, 0)>
module attributes {stable_mosaic.version = 14 : i64} {
  func.func @permute(%arg0: i32, %arg1: i32, %arg2: memref<8192x128xf32, #tpu.memory_space<hbm>>, %arg3: memref<64x128xi32, #tpu.memory_space<hbm>>, %arg4: memref<8192x128xf32, #tpu.memory_space<hbm>>, %arg5: memref<2x128xi32, #tpu.memory_space<vmem>>, %arg6: memref<256x128xf32, #tpu.memory_space<vmem>>, %arg7: memref<!tpu.dma_semaphore, #tpu.memory_space<semaphore_mem>>) attributes {dimension_semantics = [#tpu.dimension_semantics<core_parallel>, #tpu.dimension_semantics<subcore_parallel>], iteration_bounds = array<i64: 2, 16>, scalar_prefetch = 0 : i64, scratch_operands = 3 : i64, tpu.core_type = #tpu.core_type<sc_vector_subcore>, window_params = [{transform_indices = #map}, {transform_indices = #map}, {transform_indices = #map}]} {
    %mul3A = arith.constant 2 : i32
    %mul3A_0 = arith.muli %arg1, %mul3A : i32
    %add3A = arith.addi %mul3A_0, %arg0 : i32
    %mul3A_1 = arith.constant 256 : i32
    %mul3A_2 = arith.muli %add3A, %mul3A_1 : i32
    %mul3A_3 = arith.constant 2 : i32
    %mul3A_4 = arith.muli %add3A, %mul3A_3 : i32
    "tpu.region"() ({
      %run_scoped3A = tpu.sem_alloc : memref<!tpu.dma_semaphore, #tpu.memory_space<semaphore_mem>>
      %dma_start3A_43 = arith.constant 0 : i32
      %dma_start3A_44 = tpu.memref_slice %arg3[%mul3A_4, %dma_start3A_43] : memref<64x128xi32, #tpu.memory_space<hbm>> -> memref<2x128xi32, #tpu.memory_space<hbm>>
      %dma_start3A_45 = arith.constant 0 : i32
      %dma_start3A_46 = tpu.memref_slice %arg3[%mul3A_4, %dma_start3A_45] : memref<64x128xi32, #tpu.memory_space<hbm>> -> memref<2x128xi32, #tpu.memory_space<hbm>>
      tpu.enqueue_dma source(%dma_start3A_46 : memref<2x128xi32, #tpu.memory_space<hbm>>) target(%arg5 : memref<2x128xi32, #tpu.memory_space<vmem>>) target_semaphore(%run_scoped3A : memref<!tpu.dma_semaphore, #tpu.memory_space<semaphore_mem>>)
      %dma_wait3A_47 = arith.constant 0 : i32
      %dma_wait3A_48 = tpu.memref_slice %arg3[%mul3A_4, %dma_wait3A_47] : memref<64x128xi32, #tpu.memory_space<hbm>> -> memref<2x128xi32, #tpu.memory_space<hbm>>
      %dma_wait3A_49 = arith.constant 0 : i32
      %dma_wait3A_50 = tpu.memref_slice %arg3[%mul3A_4, %dma_wait3A_49] : memref<64x128xi32, #tpu.memory_space<hbm>> -> memref<2x128xi32, #tpu.memory_space<hbm>>
      tpu.wait_dma2 semaphore(%run_scoped3A : memref<!tpu.dma_semaphore, #tpu.memory_space<semaphore_mem>>) src(%dma_wait3A_50 : memref<2x128xi32, #tpu.memory_space<hbm>>) dst(%arg5 : memref<2x128xi32, #tpu.memory_space<vmem>>)
      tpu.yield
    }) : () -> ()
    %dma_start3A = arith.constant 0 : i32
    %dma_start3A_5 = arith.constant 0 : i32
    %dma_start3A_6 = arith.constant 0 : i32
    %dma_start3A_7 = tpu.memref_slice %arg6[%dma_start3A_5, %dma_start3A_6] : memref<256x128xf32, #tpu.memory_space<vmem>> -> memref<128x128xf32, #tpu.memory_space<vmem>>
    %dma_start3A_8 = arith.constant 0 : i32
    %dma_start3A_9 = tpu.memref_slice %arg5[%dma_start3A, %dma_start3A_8] : memref<2x128xi32, #tpu.memory_space<vmem>> -> memref<1x128xi32, #tpu.memory_space<vmem>>
    %dma_start3A_10 = tpu.memref_squeeze %dma_start3A_9 : memref<1x128xi32, #tpu.memory_space<vmem>> -> memref<128xi32, #tpu.memory_space<vmem>>
    %dma_start3A_11 = arith.constant 0 : i32
    %dma_start3A_12 = arith.constant 0 : i32
    %dma_start3A_13 = tpu.memref_slice %arg2[%dma_start3A_11, %dma_start3A_12] : memref<8192x128xf32, #tpu.memory_space<hbm>> -> memref<8192x128xf32, #tpu.memory_space<hbm>>
    tpu.enqueue_indirect_dma source(%dma_start3A_13 : memref<8192x128xf32, #tpu.memory_space<hbm>>) target(%dma_start3A_7 : memref<128x128xf32, #tpu.memory_space<vmem>>) offsets(%dma_start3A_10 : memref<128xi32, #tpu.memory_space<vmem>>) semaphore(%arg7 : memref<!tpu.dma_semaphore, #tpu.memory_space<semaphore_mem>>)
    %dma_wait3A = arith.constant 0 : i32
    %dma_wait3A_14 = arith.constant 0 : i32
    %dma_wait3A_15 = arith.constant 0 : i32
    %dma_wait3A_16 = tpu.memref_slice %arg6[%dma_wait3A_14, %dma_wait3A_15] : memref<256x128xf32, #tpu.memory_space<vmem>> -> memref<128x128xf32, #tpu.memory_space<vmem>>
    %dma_wait3A_17 = arith.constant 0 : i32
    %dma_wait3A_18 = tpu.memref_slice %arg5[%dma_wait3A, %dma_wait3A_17] : memref<2x128xi32, #tpu.memory_space<vmem>> -> memref<1x128xi32, #tpu.memory_space<vmem>>
    %dma_wait3A_19 = tpu.memref_squeeze %dma_wait3A_18 : memref<1x128xi32, #tpu.memory_space<vmem>> -> memref<128xi32, #tpu.memory_space<vmem>>
    %dma_wait3A_20 = arith.constant 0 : i32
    %dma_wait3A_21 = arith.constant 0 : i32
    %dma_wait3A_22 = tpu.memref_slice %arg2[%dma_wait3A_20, %dma_wait3A_21] : memref<8192x128xf32, #tpu.memory_space<hbm>> -> memref<8192x128xf32, #tpu.memory_space<hbm>>
    tpu.wait_indirect_dma semaphore(%arg7 : memref<!tpu.dma_semaphore, #tpu.memory_space<semaphore_mem>>) src(%dma_wait3A_22 : memref<8192x128xf32, #tpu.memory_space<hbm>>) dst(%dma_wait3A_16 : memref<128x128xf32, #tpu.memory_space<vmem>>)
    %dma_start3A_23 = arith.constant 1 : i32
    %dma_start3A_24 = arith.constant 128 : i32
    %dma_start3A_25 = arith.constant 0 : i32
    %dma_start3A_26 = tpu.memref_slice %arg6[%dma_start3A_24, %dma_start3A_25] : memref<256x128xf32, #tpu.memory_space<vmem>> -> memref<128x128xf32, #tpu.memory_space<vmem>>
    %dma_start3A_27 = arith.constant 0 : i32
    %dma_start3A_28 = tpu.memref_slice %arg5[%dma_start3A_23, %dma_start3A_27] : memref<2x128xi32, #tpu.memory_space<vmem>> -> memref<1x128xi32, #tpu.memory_space<vmem>>
    %dma_start3A_29 = tpu.memref_squeeze %dma_start3A_28 : memref<1x128xi32, #tpu.memory_space<vmem>> -> memref<128xi32, #tpu.memory_space<vmem>>
    %dma_start3A_30 = arith.constant 0 : i32
    %dma_start3A_31 = arith.constant 0 : i32
    %dma_start3A_32 = tpu.memref_slice %arg2[%dma_start3A_30, %dma_start3A_31] : memref<8192x128xf32, #tpu.memory_space<hbm>> -> memref<8192x128xf32, #tpu.memory_space<hbm>>
    tpu.enqueue_indirect_dma source(%dma_start3A_32 : memref<8192x128xf32, #tpu.memory_space<hbm>>) target(%dma_start3A_26 : memref<128x128xf32, #tpu.memory_space<vmem>>) offsets(%dma_start3A_29 : memref<128xi32, #tpu.memory_space<vmem>>) semaphore(%arg7 : memref<!tpu.dma_semaphore, #tpu.memory_space<semaphore_mem>>)
    %dma_wait3A_33 = arith.constant 1 : i32
    %dma_wait3A_34 = arith.constant 128 : i32
    %dma_wait3A_35 = arith.constant 0 : i32
    %dma_wait3A_36 = tpu.memref_slice %arg6[%dma_wait3A_34, %dma_wait3A_35] : memref<256x128xf32, #tpu.memory_space<vmem>> -> memref<128x128xf32, #tpu.memory_space<vmem>>
    %dma_wait3A_37 = arith.constant 0 : i32
    %dma_wait3A_38 = tpu.memref_slice %arg5[%dma_wait3A_33, %dma_wait3A_37] : memref<2x128xi32, #tpu.memory_space<vmem>> -> memref<1x128xi32, #tpu.memory_space<vmem>>
    %dma_wait3A_39 = tpu.memref_squeeze %dma_wait3A_38 : memref<1x128xi32, #tpu.memory_space<vmem>> -> memref<128xi32, #tpu.memory_space<vmem>>
    %dma_wait3A_40 = arith.constant 0 : i32
    %dma_wait3A_41 = arith.constant 0 : i32
    %dma_wait3A_42 = tpu.memref_slice %arg2[%dma_wait3A_40, %dma_wait3A_41] : memref<8192x128xf32, #tpu.memory_space<hbm>> -> memref<8192x128xf32, #tpu.memory_space<hbm>>
    tpu.wait_indirect_dma semaphore(%arg7 : memref<!tpu.dma_semaphore, #tpu.memory_space<semaphore_mem>>) src(%dma_wait3A_42 : memref<8192x128xf32, #tpu.memory_space<hbm>>) dst(%dma_wait3A_36 : memref<128x128xf32, #tpu.memory_space<vmem>>)
    "tpu.region"() ({
      %run_scoped3A = tpu.sem_alloc : memref<!tpu.dma_semaphore, #tpu.memory_space<semaphore_mem>>
      %dma_start3A_43 = arith.constant 0 : i32
      %dma_start3A_44 = tpu.memref_slice %arg4[%mul3A_2, %dma_start3A_43] : memref<8192x128xf32, #tpu.memory_space<hbm>> -> memref<256x128xf32, #tpu.memory_space<hbm>>
      %dma_start3A_45 = arith.constant 0 : i32
      %dma_start3A_46 = tpu.memref_slice %arg4[%mul3A_2, %dma_start3A_45] : memref<8192x128xf32, #tpu.memory_space<hbm>> -> memref<256x128xf32, #tpu.memory_space<hbm>>
      tpu.enqueue_dma source(%arg6 : memref<256x128xf32, #tpu.memory_space<vmem>>) target(%dma_start3A_46 : memref<256x128xf32, #tpu.memory_space<hbm>>) target_semaphore(%run_scoped3A : memref<!tpu.dma_semaphore, #tpu.memory_space<semaphore_mem>>)
      %dma_wait3A_47 = arith.constant 0 : i32
      %dma_wait3A_48 = tpu.memref_slice %arg4[%mul3A_2, %dma_wait3A_47] : memref<8192x128xf32, #tpu.memory_space<hbm>> -> memref<256x128xf32, #tpu.memory_space<hbm>>
      %dma_wait3A_49 = arith.constant 0 : i32
      %dma_wait3A_50 = tpu.memref_slice %arg4[%mul3A_2, %dma_wait3A_49] : memref<8192x128xf32, #tpu.memory_space<hbm>> -> memref<256x128xf32, #tpu.memory_space<hbm>>
      tpu.wait_dma2 semaphore(%run_scoped3A : memref<!tpu.dma_semaphore, #tpu.memory_space<semaphore_mem>>) src(%arg6 : memref<256x128xf32, #tpu.memory_space<vmem>>) dst(%dma_wait3A_50 : memref<256x128xf32, #tpu.memory_space<hbm>>)
      tpu.yield
    }) : () -> ()
    return
  }
}

module attributes {stable_mosaic.version = 14 : i64} {
  func.func @_prep_pos_kernel(%arg0: i32, %arg1: i32, %arg2: memref<2xi32, #tpu.memory_space<smem>>, %arg3: memref<512x2xi32, #tpu.memory_space<vmem>>, %arg4: memref<128x128xbf16, #tpu.memory_space<vmem>>, %arg5: memref<3x512x128xf32, #tpu.memory_space<vmem>>, %arg6: memref<512x128xf32, #tpu.memory_space<vmem>>, %arg7: memref<1x4x128xi32, #tpu.memory_space<vmem>>, %arg8: memref<256xi32, #tpu.memory_space<vmem>>, %arg9: memref<2x128xi32, #tpu.memory_space<vmem>>, %arg10: memref<8x256xf32, #tpu.memory_space<vmem>>, %arg11: memref<8192x128xf32, #tpu.memory_space<vmem>>, %arg12: memref<16x512xi32, #tpu.memory_space<vmem>>) attributes {dimension_semantics = [#tpu.dimension_semantics<arbitrary>, #tpu.dimension_semantics<arbitrary>], iteration_bounds = array<i64: 2, 16>, scalar_prefetch = 0 : i64, scratch_operands = 3 : i64, tpu.core_type = #tpu.core_type<tc>, window_params = [{transform_indices = @transform_0, window_bounds = array<i64: 2>}, {transform_indices = @transform_1, window_bounds = array<i64: 512, 2>}, {pipeline_mode = #tpu.pipeline_mode<synchronous>, transform_indices = @transform_2, window_bounds = array<i64: 128, 128>}, {transform_indices = @transform_3, window_bounds = array<i64: 3, 512, 128>}, {transform_indices = @transform_4, window_bounds = array<i64: 512, 128>}, {transform_indices = @transform_5, window_bounds = array<i64: 1, 4, 128>}, {pipeline_mode = #tpu.pipeline_mode<synchronous>, transform_indices = @transform_6, window_bounds = array<i64: 256>}, {pipeline_mode = #tpu.pipeline_mode<synchronous>, transform_indices = @transform_7, window_bounds = array<i64: 2, 128>}]} {
    %eq3A = arith.constant 0 : i32
    %eq3A_0 = arith.cmpi eq, %arg0, %eq3A : i32
    %eq3A_1 = arith.constant 0 : i32
    %eq3A_2 = arith.cmpi eq, %arg1, %eq3A_1 : i32
    %and3A = arith.andi %eq3A_0, %eq3A_2 : i1
    %convert_element_type3A = arith.extui %and3A : i1 to i32
    %cond3A = arith.constant 0 : i32
    %cond3A_3 = arith.cmpi ne, %convert_element_type3A, %cond3A : i32
    scf.if %cond3A_3 {
      %broadcast_in_dim3A = arith.constant 0.000000e+00 : f32
      %broadcast_in_dim3A_14 = vector.broadcast %broadcast_in_dim3A : f32 to vector<8x256xf32>
      %swap3A = arith.constant 0 : index
      %swap3A_15 = arith.constant 0 : index
      %swap3A_16 = vector.load %arg10[%swap3A, %swap3A_15] : memref<8x256xf32, #tpu.memory_space<vmem>>, vector<8x256xf32>
      tpu.vector_store %arg10[%swap3A, %swap3A_15], %broadcast_in_dim3A_14 {strides = array<i32>} : memref<8x256xf32, #tpu.memory_space<vmem>>, vector<8x256xf32>,
    } else {
    }
    %eq3A_4 = arith.constant 0 : i32
    %eq3A_5 = arith.cmpi eq, %arg0, %eq3A_4 : i32
    %convert_element_type3A_6 = arith.extui %eq3A_5 : i1 to i32
    %cond3A_7 = arith.constant 0 : i32
    %cond3A_8 = arith.cmpi ne, %convert_element_type3A_6, %cond3A_7 : i32
    scf.if %cond3A_8 {
      %get3A = arith.constant 0 : index
      %get3A_14 = memref.load %arg2[%get3A] : memref<2xi32, #tpu.memory_space<smem>>
      %get3A_15 = arith.constant 1 : index
      %get3A_16 = memref.load %arg2[%get3A_15] : memref<2xi32, #tpu.memory_space<smem>>
      %broadcast_in_dim3A = arith.constant 1.000000e+00 : f32
      %broadcast_in_dim3A_17 = vector.broadcast %broadcast_in_dim3A : f32 to vector<512x128xf32>
      %gt3A = arith.constant 0 : i32
      %gt3A_18 = arith.cmpi sgt, %get3A_16, %gt3A : i32
      %ne3A = arith.constant 0 : i32
      %ne3A_19 = arith.cmpi ne, %get3A_14, %ne3A : i32
      %and3A_20 = arith.andi %gt3A_18, %ne3A_19 : i1
      %jit3A = arith.constant 1.000000e+00 : f32
      %jit3A_21 = arith.constant 0.000000e+00 : f32
      %select_n3A = arith.select %and3A_20, %jit3A, %jit3A_21 : f32
      %get3A_22 = arith.constant 0 : index
      %get3A_23 = arith.constant 0 : index
      %get3A_24 = arith.constant 0 : index
      %get3A_25 = vector.load %arg5[%get3A_22, %get3A_23, %get3A_24] : memref<3x512x128xf32, #tpu.memory_space<vmem>>, vector<1x512x128xf32>
      %get3A_26 = vector.shape_cast %get3A_25 : vector<1x512x128xf32> to vector<512x128xf32>
      %mul3A = vector.broadcast %select_n3A : f32 to vector<512x128xf32>
      %mul3A_27 = arith.mulf %get3A_26, %mul3A : vector<512x128xf32>
      %sub3A = arith.constant 1.000000e+00 : f32
      %sub3A_28 = arith.subf %sub3A, %select_n3A : f32
      %add3A = vector.broadcast %sub3A_28 : f32 to vector<512x128xf32>
      %add3A_29 = arith.addf %mul3A_27, %add3A : vector<512x128xf32>
      %mul3A_30 = arith.mulf %broadcast_in_dim3A_17, %add3A_29 : vector<512x128xf32>
      %gt3A_31 = arith.constant 1 : i32
      %gt3A_32 = arith.cmpi sgt, %get3A_16, %gt3A_31 : i32
      %ne3A_33 = arith.constant 1 : i32
      %ne3A_34 = arith.cmpi ne, %get3A_14, %ne3A_33 : i32
      %and3A_35 = arith.andi %gt3A_32, %ne3A_34 : i1
      %jit3A_36 = arith.constant 1.000000e+00 : f32
      %jit3A_37 = arith.constant 0.000000e+00 : f32
      %select_n3A_38 = arith.select %and3A_35, %jit3A_36, %jit3A_37 : f32
      %get3A_39 = arith.constant 1 : index
      %get3A_40 = arith.constant 0 : index
      %get3A_41 = arith.constant 0 : index
      %get3A_42 = vector.load %arg5[%get3A_39, %get3A_40, %get3A_41] : memref<3x512x128xf32, #tpu.memory_space<vmem>>, vector<1x512x128xf32>
      %get3A_43 = vector.shape_cast %get3A_42 : vector<1x512x128xf32> to vector<512x128xf32>
      %mul3A_44 = vector.broadcast %select_n3A_38 : f32 to vector<512x128xf32>
      %mul3A_45 = arith.mulf %get3A_43, %mul3A_44 : vector<512x128xf32>
      %sub3A_46 = arith.constant 1.000000e+00 : f32
      %sub3A_47 = arith.subf %sub3A_46, %select_n3A_38 : f32
      %add3A_48 = vector.broadcast %sub3A_47 : f32 to vector<512x128xf32>
      %add3A_49 = arith.addf %mul3A_45, %add3A_48 : vector<512x128xf32>
      %mul3A_50 = arith.mulf %mul3A_30, %add3A_49 : vector<512x128xf32>
      %gt3A_51 = arith.constant 2 : i32
      %gt3A_52 = arith.cmpi sgt, %get3A_16, %gt3A_51 : i32
      %ne3A_53 = arith.constant 2 : i32
      %ne3A_54 = arith.cmpi ne, %get3A_14, %ne3A_53 : i32
      %and3A_55 = arith.andi %gt3A_52, %ne3A_54 : i1
      %jit3A_56 = arith.constant 1.000000e+00 : f32
      %jit3A_57 = arith.constant 0.000000e+00 : f32
      %select_n3A_58 = arith.select %and3A_55, %jit3A_56, %jit3A_57 : f32
      %get3A_59 = arith.constant 2 : index
      %get3A_60 = arith.constant 0 : index
      %get3A_61 = arith.constant 0 : index
      %get3A_62 = vector.load %arg5[%get3A_59, %get3A_60, %get3A_61] : memref<3x512x128xf32, #tpu.memory_space<vmem>>, vector<1x512x128xf32>
      %get3A_63 = vector.shape_cast %get3A_62 : vector<1x512x128xf32> to vector<512x128xf32>
      %mul3A_64 = vector.broadcast %select_n3A_58 : f32 to vector<512x128xf32>
      %mul3A_65 = arith.mulf %get3A_63, %mul3A_64 : vector<512x128xf32>
      %sub3A_66 = arith.constant 1.000000e+00 : f32
      %sub3A_67 = arith.subf %sub3A_66, %select_n3A_58 : f32
      %add3A_68 = vector.broadcast %sub3A_67 : f32 to vector<512x128xf32>
      %add3A_69 = arith.addf %mul3A_65, %add3A_68 : vector<512x128xf32>
      %mul3A_70 = arith.mulf %mul3A_50, %add3A_69 : vector<512x128xf32>
      %swap3A = arith.constant 0 : index
      %swap3A_71 = arith.constant 0 : index
      %swap3A_72 = vector.load %arg6[%swap3A, %swap3A_71] : memref<512x128xf32, #tpu.memory_space<vmem>>, vector<512x128xf32>
      tpu.vector_store %arg6[%swap3A, %swap3A_71], %mul3A_70 {strides = array<i32>} : memref<512x128xf32, #tpu.memory_space<vmem>>, vector<512x128xf32>,
      %mul3A_73 = arith.constant 512 : i32
      %mul3A_74 = arith.muli %arg1, %mul3A_73 : i32
      %swap3A_75 = arith.index_cast %mul3A_74 : i32 to index
      %swap3A_76 = arith.constant 0 : index
      %swap3A_77 = vector.load %arg11[%swap3A_75, %swap3A_76] : memref<8192x128xf32, #tpu.memory_space<vmem>>, vector<512x128xf32>
      tpu.vector_store %arg11[%swap3A_75, %swap3A_76], %mul3A_70 {strides = array<i32>} : memref<8192x128xf32, #tpu.memory_space<vmem>>, vector<512x128xf32>,
      %get3A_78 = arith.constant 0 : index
      %get3A_79 = arith.constant 0 : index
      %get3A_80 = vector.load %arg3[%get3A_78, %get3A_79] : memref<512x2xi32, #tpu.memory_space<vmem>>, vector<512x1xi32>
      %get3A_81 = vector.shape_cast %get3A_80 : vector<512x1xi32> to vector<512xi32>
      %jit3A_82 = arith.constant 128 : i32
      %div3A = vector.broadcast %jit3A_82 : i32 to vector<512xi32>
      %div3A_83 = arith.divsi %get3A_81, %div3A : vector<512xi32>
      %sign3A = arith.constant 0 : i32
      %sign3A_84 = vector.broadcast %sign3A : i32 to vector<512xi32>
      %sign3A_85 = arith.cmpi sgt, %get3A_81, %sign3A_84 : vector<512xi32>
      %sign3A_86 = arith.extui %sign3A_85 : vector<512xi1> to vector<512xi32>
      %sign3A_87 = arith.constant 0 : i32
      %sign3A_88 = vector.broadcast %sign3A_87 : i32 to vector<512xi32>
      %sign3A_89 = arith.cmpi slt, %get3A_81, %sign3A_88 : vector<512xi32>
      %sign3A_90 = arith.extui %sign3A_89 : vector<512xi1> to vector<512xi32>
      %sign3A_91 = arith.subi %sign3A_86, %sign3A_90 : vector<512xi32>
      %sign3A_92 = arith.constant 0 : i32
      %sign3A_93 = arith.cmpi sgt, %jit3A_82, %sign3A_92 : i32
      %sign3A_94 = arith.extui %sign3A_93 : i1 to i32
      %sign3A_95 = arith.constant 0 : i32
      %sign3A_96 = arith.cmpi slt, %jit3A_82, %sign3A_95 : i32
      %sign3A_97 = arith.extui %sign3A_96 : i1 to i32
      %sign3A_98 = arith.subi %sign3A_94, %sign3A_97 : i32
      %ne3A_99 = vector.broadcast %sign3A_98 : i32 to vector<512xi32>
      %ne3A_100 = arith.cmpi ne, %sign3A_91, %ne3A_99 : vector<512xi32>
      %rem3A = vector.broadcast %jit3A_82 : i32 to vector<512xi32>
      %rem3A_101 = arith.remsi %get3A_81, %rem3A : vector<512xi32>
      %ne3A_102 = arith.constant 0 : i32
      %ne3A_103 = vector.broadcast %ne3A_102 : i32 to vector<512xi32>
      %ne3A_104 = arith.cmpi ne, %rem3A_101, %ne3A_103 : vector<512xi32>
      %and3A_105 = arith.andi %ne3A_100, %ne3A_104 : vector<512xi1>
      %sub3A_106 = arith.constant 1 : i32
      %sub3A_107 = vector.broadcast %sub3A_106 : i32 to vector<512xi32>
      %sub3A_108 = arith.subi %div3A_83, %sub3A_107 : vector<512xi32>
      %select_n3A_109 = arith.select %and3A_105, %sub3A_108, %div3A_83 : vector<512xi1>, vector<512xi32>
      %mul3A_110 = arith.constant 128 : i32
      %mul3A_111 = vector.broadcast %mul3A_110 : i32 to vector<512xi32>
      %mul3A_112 = arith.muli %select_n3A_109, %mul3A_111 : vector<512xi32>
      %sub3A_113 = arith.subi %get3A_81, %mul3A_112 : vector<512xi32>
      %iota3A = tpu.iota {dimensions = array<i32: 1>} : vector<512x128xi32>
      %broadcast_in_dim3A_114 = vector.shape_cast %sub3A_113 : vector<512xi32> to vector<512x1xi32>
      %eq3A_115 = vector.broadcast %broadcast_in_dim3A_114 : vector<512x1xi32> to vector<512x128xi32>
      %eq3A_116 = arith.cmpi eq, %iota3A, %eq3A_115 : vector<512x128xi32>
      %convert_element_type3A_117 = arith.extui %eq3A_116 : vector<512x128xi1> to vector<512x128xi32>
      %convert_element_type3A_118 = arith.sitofp %convert_element_type3A_117 : vector<512x128xi32> to vector<512x128xf32>
      %convert_element_type3A_119 = arith.truncf %convert_element_type3A_118 : vector<512x128xf32> to vector<512x128xbf16>
      %get3A_120 = arith.constant 0 : index
      %get3A_121 = arith.constant 0 : index
      %get3A_122 = vector.load %arg4[%get3A_120, %get3A_121] : memref<128x128xbf16, #tpu.memory_space<vmem>>, vector<128x128xbf16>
      %dot_general3A = arith.constant dense<0.000000e+00> : vector<512x128xf32>
      %dot_general3A_123 = tpu.matmul %convert_element_type3A_119, %get3A_122, %dot_general3A {dimension_numbers = #tpu.dot_dimension_numbers<[1], [0], [0], [1], [0, 0, 1, 1], [], []>, transpose_lhs_hint = false} : vector<512x128xbf16>, vector<128x128xbf16>, vector<512x128xf32> -> vector<512x128xf32>
      %broadcast_in_dim3A_124 = vector.shape_cast %select_n3A_109 : vector<512xi32> to vector<512x1xi32>
      %eq3A_125 = vector.broadcast %broadcast_in_dim3A_124 : vector<512x1xi32> to vector<512x128xi32>
      %eq3A_126 = arith.cmpi eq, %iota3A, %eq3A_125 : vector<512x128xi32>
      %convert_element_type3A_127 = arith.extui %eq3A_126 : vector<512x128xi1> to vector<512x128xi32>
      %convert_element_type3A_128 = arith.sitofp %convert_element_type3A_127 : vector<512x128xi32> to vector<512x128xf32>
      %mul3A_129 = arith.mulf %convert_element_type3A_128, %dot_general3A_123 : vector<512x128xf32>
      %iota3A_130 = tpu.iota {dimensions = array<i32: 1>} : vector<128x128xi32>
      %eq3A_131 = arith.constant 0 : i32
      %eq3A_132 = vector.broadcast %eq3A_131 : i32 to vector<128x128xi32>
      %eq3A_133 = arith.cmpi eq, %iota3A_130, %eq3A_132 : vector<128x128xi32>
      %convert_element_type3A_134 = arith.extui %eq3A_133 : vector<128x128xi1> to vector<128x128xi32>
      %convert_element_type3A_135 = arith.sitofp %convert_element_type3A_134 : vector<128x128xi32> to vector<128x128xf32>
      %convert_element_type3A_136 = arith.truncf %convert_element_type3A_135 : vector<128x128xf32> to vector<128x128xbf16>
      %convert_element_type3A_137 = arith.truncf %mul3A_129 : vector<512x128xf32> to vector<512x128xbf16>
      %dot_general3A_138 = arith.constant dense<0.000000e+00> : vector<512x128xf32>
      %dot_general3A_139 = tpu.matmul %convert_element_type3A_137, %convert_element_type3A_136, %dot_general3A_138 {dimension_numbers = #tpu.dot_dimension_numbers<[1], [0], [0], [1], [0, 0, 1, 1], [], []>, transpose_lhs_hint = false} : vector<512x128xbf16>, vector<128x128xbf16>, vector<512x128xf32> -> vector<512x128xf32>
      %slice3A = vector.extract_strided_slice %dot_general3A_139 {offsets = [0, 0], sizes = [512, 1], strides = [1, 1]} : vector<512x128xf32> to vector<512x1xf32>
      %squeeze3A = vector.shape_cast %slice3A : vector<512x1xf32> to vector<512xf32>
      %convert_element_type3A_140 = arith.fptosi %squeeze3A : vector<512xf32> to vector<512xi32>
      %swap3A_141 = arith.index_cast %arg1 : i32 to index
      %swap3A_142 = arith.constant 0 : index
      %swap3A_143 = vector.load %arg12[%swap3A_141, %swap3A_142] : memref<16x512xi32, #tpu.memory_space<vmem>>, vector<1x512xi32>
      %swap3A_144 = vector.shape_cast %swap3A_143 : vector<1x512xi32> to vector<512xi32>
      %swap3A_145 = vector.shape_cast %convert_element_type3A_140 : vector<512xi32> to vector<1x512xi32>
      tpu.vector_store %arg12[%swap3A_141, %swap3A_142], %swap3A_145 {strides = array<i32>} : memref<16x512xi32, #tpu.memory_space<vmem>>, vector<1x512xi32>,
      %iota3A_146 = tpu.iota {dimensions = array<i32: 1>} : vector<512x256xi32>
      %broadcast_in_dim3A_147 = vector.shape_cast %convert_element_type3A_140 : vector<512xi32> to vector<512x1xi32>
      %eq3A_148 = vector.broadcast %broadcast_in_dim3A_147 : vector<512x1xi32> to vector<512x256xi32>
      %eq3A_149 = arith.cmpi eq, %iota3A_146, %eq3A_148 : vector<512x256xi32>
      %convert_element_type3A_150 = arith.extui %eq3A_149 : vector<512x256xi1> to vector<512x256xi32>
      %convert_element_type3A_151 = arith.sitofp %convert_element_type3A_150 : vector<512x256xi32> to vector<512x256xf32>
      %get3A_152 = arith.constant 0 : index
      %get3A_153 = arith.constant 0 : index
      %get3A_154 = vector.load %arg10[%get3A_152, %get3A_153] : memref<8x256xf32, #tpu.memory_space<vmem>>, vector<1x256xf32>
      %get3A_155 = vector.shape_cast %get3A_154 : vector<1x256xf32> to vector<256xf32>
      %reduce_sum3A = arith.constant dense<0.000000e+00> : vector<256xf32>
      %reduce_sum3A_156 = vector.multi_reduction <add>, %convert_element_type3A_151, %reduce_sum3A [0] : vector<512x256xf32> to vector<256xf32>
      %add3A_157 = arith.addf %get3A_155, %reduce_sum3A_156 : vector<256xf32>
      %swap3A_158 = arith.constant 0 : index
      %swap3A_159 = arith.constant 0 : index
      %swap3A_160 = vector.load %arg10[%swap3A_158, %swap3A_159] : memref<8x256xf32, #tpu.memory_space<vmem>>, vector<1x256xf32>
      %swap3A_161 = vector.shape_cast %swap3A_160 : vector<1x256xf32> to vector<256xf32>
      %swap3A_162 = vector.shape_cast %add3A_157 : vector<256xf32> to vector<1x256xf32>
      tpu.vector_store %arg10[%swap3A_158, %swap3A_159], %swap3A_162 {strides = array<i32>} : memref<8x256xf32, #tpu.memory_space<vmem>>, vector<1x256xf32>,
      %broadcast_in_dim3A_163 = arith.constant 0 : i32
      %broadcast_in_dim3A_164 = vector.broadcast %broadcast_in_dim3A_163 : i32 to vector<1x4x128xi32>
      %swap3A_165 = arith.constant 0 : index
      %swap3A_166 = arith.constant 0 : index
      %swap3A_167 = arith.constant 0 : index
      %swap3A_168 = vector.load %arg7[%swap3A_165, %swap3A_166, %swap3A_167] : memref<1x4x128xi32, #tpu.memory_space<vmem>>, vector<1x4x128xi32>
      tpu.vector_store %arg7[%swap3A_165, %swap3A_166, %swap3A_167], %broadcast_in_dim3A_164 {strides = array<i32>} : memref<1x4x128xi32, #tpu.memory_space<vmem>>, vector<1x4x128xi32>,
      %eq3A_169 = arith.constant 15 : i32
      %eq3A_170 = arith.cmpi eq, %arg1, %eq3A_169 : i32
      %convert_element_type3A_171 = arith.extui %eq3A_170 : i1 to i32
      %cond3A_172 = arith.constant 0 : i32
      %cond3A_173 = arith.cmpi ne, %convert_element_type3A_171, %cond3A_172 : i32
      scf.if %cond3A_173 {
        %get3A_174 = arith.constant 0 : index
        %get3A_175 = arith.constant 0 : index
        %get3A_176 = vector.load %arg10[%get3A_174, %get3A_175] : memref<8x256xf32, #tpu.memory_space<vmem>>, vector<1x256xf32>
        %get3A_177 = vector.shape_cast %get3A_176 : vector<1x256xf32> to vector<256xf32>
        %iota3A_178 = tpu.iota {dimensions = array<i32: 0>} : vector<256x256xi32>
        %iota3A_179 = tpu.iota {dimensions = array<i32: 1>} : vector<256x256xi32>
        %lt3A = arith.cmpi slt, %iota3A_178, %iota3A_179 : vector<256x256xi32>
        %convert_element_type3A_180 = arith.extui %lt3A : vector<256x256xi1> to vector<256x256xi32>
        %convert_element_type3A_181 = arith.sitofp %convert_element_type3A_180 : vector<256x256xi32> to vector<256x256xf32>
        %broadcast_in_dim3A_182 = vector.shape_cast %get3A_177 : vector<256xf32> to vector<1x256xf32>
        %dot_general3A_183 = arith.constant dense<0.000000e+00> : vector<1x256xf32>
        %dot_general3A_184 = tpu.matmul %broadcast_in_dim3A_182, %convert_element_type3A_181, %dot_general3A_183 {dimension_numbers = #tpu.dot_dimension_numbers<[1], [0], [0], [1], [0, 0, 1, 1], [], []>, transpose_lhs_hint = false} : vector<1x256xf32>, vector<256x256xf32>, vector<1x256xf32> -> vector<1x256xf32>
        %squeeze3A_185 = vector.shape_cast %dot_general3A_184 : vector<1x256xf32> to vector<256xf32>
        %convert_element_type3A_186 = arith.fptosi %squeeze3A_185 : vector<256xf32> to vector<256xi32>
        %swap3A_187 = arith.constant 0 : index
        %swap3A_188 = vector.load %arg8[%swap3A_187] : memref<256xi32, #tpu.memory_space<vmem>>, vector<256xi32>
        tpu.vector_store %arg8[%swap3A_187], %convert_element_type3A_186 {strides = array<i32>} : memref<256xi32, #tpu.memory_space<vmem>>, vector<256xi32>,
        %swap3A_189 = arith.constant 1 : index
        %swap3A_190 = arith.constant 0 : index
        %swap3A_191 = vector.load %arg10[%swap3A_189, %swap3A_190] : memref<8x256xf32, #tpu.memory_space<vmem>>, vector<1x256xf32>
        %swap3A_192 = vector.shape_cast %swap3A_191 : vector<1x256xf32> to vector<256xf32>
        %swap3A_193 = vector.shape_cast %squeeze3A_185 : vector<256xf32> to vector<1x256xf32>
        tpu.vector_store %arg10[%swap3A_189, %swap3A_190], %swap3A_193 {strides = array<i32>} : memref<8x256xf32, #tpu.memory_space<vmem>>, vector<1x256xf32>,
        %broadcast_in_dim3A_194 = arith.constant 0.000000e+00 : f32
        %broadcast_in_dim3A_195 = vector.broadcast %broadcast_in_dim3A_194 : f32 to vector<256xf32>
        %swap3A_196 = arith.constant 2 : index
        %swap3A_197 = arith.constant 0 : index
        %swap3A_198 = vector.load %arg10[%swap3A_196, %swap3A_197] : memref<8x256xf32, #tpu.memory_space<vmem>>, vector<1x256xf32>
        %swap3A_199 = vector.shape_cast %swap3A_198 : vector<1x256xf32> to vector<256xf32>
        %swap3A_200 = vector.shape_cast %broadcast_in_dim3A_195 : vector<256xf32> to vector<1x256xf32>
        tpu.vector_store %arg10[%swap3A_196, %swap3A_197], %swap3A_200 {strides = array<i32>} : memref<8x256xf32, #tpu.memory_space<vmem>>, vector<1x256xf32>,
        %iota3A_201 = tpu.iota {dimensions = array<i32: 0>} : vector<128x256xi32>
        %mul3A_202 = arith.constant 512 : i32
        %mul3A_203 = vector.broadcast %mul3A_202 : i32 to vector<128x256xi32>
        %mul3A_204 = arith.muli %iota3A_201, %mul3A_203 : vector<128x256xi32>
        %convert_element_type3A_205 = arith.sitofp %mul3A_204 : vector<128x256xi32> to vector<128x256xf32>
        %broadcast_in_dim3A_206 = vector.shape_cast %squeeze3A_185 : vector<256xf32> to vector<1x256xf32>
        %le3A = vector.broadcast %broadcast_in_dim3A_206 : vector<1x256xf32> to vector<128x256xf32>
        %le3A_207 = arith.cmpf ole, %le3A, %convert_element_type3A_205 : vector<128x256xf32>
        %convert_element_type3A_208 = arith.extui %le3A_207 : vector<128x256xi1> to vector<128x256xi32>
        %reduce_sum3A_209 = arith.constant dense<0> : vector<128xi32>
        %reduce_sum3A_210 = vector.multi_reduction <add>, %convert_element_type3A_208, %reduce_sum3A_209 [1] : vector<128x256xi32> to vector<128xi32>
        %sub3A_211 = arith.constant 1 : i32
        %sub3A_212 = vector.broadcast %sub3A_211 : i32 to vector<128xi32>
        %sub3A_213 = arith.subi %reduce_sum3A_210, %sub3A_212 : vector<128xi32>
        %broadcast_in_dim3A_214 = vector.shape_cast %squeeze3A_185 : vector<256xf32> to vector<1x256xf32>
        %add3A_215 = arith.constant 5.110000e+02 : f32
        %add3A_216 = vector.broadcast %add3A_215 : f32 to vector<128x256xf32>
        %add3A_217 = arith.addf %convert_element_type3A_205, %add3A_216 : vector<128x256xf32>
        %le3A_218 = vector.broadcast %broadcast_in_dim3A_214 : vector<1x256xf32> to vector<128x256xf32>
        %le3A_219 = arith.cmpf ole, %le3A_218, %add3A_217 : vector<128x256xf32>
        %convert_element_type3A_220 = arith.extui %le3A_219 : vector<128x256xi1> to vector<128x256xi32>
        %reduce_sum3A_221 = arith.constant dense<0> : vector<128xi32>
        %reduce_sum3A_222 = vector.multi_reduction <add>, %convert_element_type3A_220, %reduce_sum3A_221 [1] : vector<128x256xi32> to vector<128xi32>
        %sub3A_223 = arith.constant 1 : i32
        %sub3A_224 = vector.broadcast %sub3A_223 : i32 to vector<128xi32>
        %sub3A_225 = arith.subi %reduce_sum3A_222, %sub3A_224 : vector<128xi32>
        %broadcast_in_dim3A_226 = vector.shape_cast %sub3A_213 : vector<128xi32> to vector<1x128xi32>
        %broadcast_in_dim3A_227 = vector.shape_cast %sub3A_225 : vector<128xi32> to vector<1x128xi32>
        %concatenate3A = tpu.concatenate %broadcast_in_dim3A_226, %broadcast_in_dim3A_227 in 0 : vector<1x128xi32>, vector<1x128xi32> -> vector<2x128xi32>
        %swap3A_228 = arith.constant 0 : index
        %swap3A_229 = arith.constant 0 : index
        %swap3A_230 = vector.load %arg9[%swap3A_228, %swap3A_229] : memref<2x128xi32, #tpu.memory_space<vmem>>, vector<2x128xi32>
        tpu.vector_store %arg9[%swap3A_228, %swap3A_229], %concatenate3A {strides = array<i32>} : memref<2x128xi32, #tpu.memory_space<vmem>>, vector<2x128xi32>,
      } else {
      }
    } else {
    }
    %eq3A_9 = arith.constant 1 : i32
    %eq3A_10 = arith.cmpi eq, %arg0, %eq3A_9 : i32
    %convert_element_type3A_11 = arith.extui %eq3A_10 : i1 to i32
    %cond3A_12 = arith.constant 0 : i32
    %cond3A_13 = arith.cmpi ne, %convert_element_type3A_11, %cond3A_12 : i32
    scf.if %cond3A_13 {
      %mul3A = arith.constant 512 : i32
      %mul3A_14 = arith.muli %arg1, %mul3A : i32
      %get3A = arith.index_cast %mul3A_14 : i32 to index
      %get3A_15 = arith.constant 0 : index
      %get3A_16 = vector.load %arg11[%get3A, %get3A_15] : memref<8192x128xf32, #tpu.memory_space<vmem>>, vector<512x128xf32>
      %swap3A = arith.constant 0 : index
      %swap3A_17 = arith.constant 0 : index
      %swap3A_18 = vector.load %arg6[%swap3A, %swap3A_17] : memref<512x128xf32, #tpu.memory_space<vmem>>, vector<512x128xf32>
      tpu.vector_store %arg6[%swap3A, %swap3A_17], %get3A_16 {strides = array<i32>} : memref<512x128xf32, #tpu.memory_space<vmem>>, vector<512x128xf32>,
      %get3A_19 = arith.index_cast %arg1 : i32 to index
      %get3A_20 = arith.constant 0 : index
      %get3A_21 = vector.load %arg12[%get3A_19, %get3A_20] : memref<16x512xi32, #tpu.memory_space<vmem>>, vector<1x512xi32>
      %get3A_22 = vector.shape_cast %get3A_21 : vector<1x512xi32> to vector<512xi32>
      %iota3A = tpu.iota {dimensions = array<i32: 1>} : vector<512x256xi32>
      %broadcast_in_dim3A = vector.shape_cast %get3A_22 : vector<512xi32> to vector<512x1xi32>
      %eq3A_23 = vector.broadcast %broadcast_in_dim3A : vector<512x1xi32> to vector<512x256xi32>
      %eq3A_24 = arith.cmpi eq, %iota3A, %eq3A_23 : vector<512x256xi32>
      %convert_element_type3A_25 = arith.extui %eq3A_24 : vector<512x256xi1> to vector<512x256xi32>
      %convert_element_type3A_26 = arith.sitofp %convert_element_type3A_25 : vector<512x256xi32> to vector<512x256xf32>
      %get3A_27 = arith.constant 1 : index
      %get3A_28 = arith.constant 0 : index
      %get3A_29 = vector.load %arg10[%get3A_27, %get3A_28] : memref<8x256xf32, #tpu.memory_space<vmem>>, vector<1x256xf32>
      %get3A_30 = vector.shape_cast %get3A_29 : vector<1x256xf32> to vector<256xf32>
      %get3A_31 = arith.constant 2 : index
      %get3A_32 = arith.constant 0 : index
      %get3A_33 = vector.load %arg10[%get3A_31, %get3A_32] : memref<8x256xf32, #tpu.memory_space<vmem>>, vector<1x256xf32>
      %get3A_34 = vector.shape_cast %get3A_33 : vector<1x256xf32> to vector<256xf32>
      %iota3A_35 = tpu.iota {dimensions = array<i32: 0>} : vector<128x128xi32>
      %iota3A_36 = tpu.iota {dimensions = array<i32: 1>} : vector<128x128xi32>
      %lt3A = arith.cmpi slt, %iota3A_36, %iota3A_35 : vector<128x128xi32>
      %convert_element_type3A_37 = arith.extui %lt3A : vector<128x128xi1> to vector<128x128xi32>
      %convert_element_type3A_38 = arith.sitofp %convert_element_type3A_37 : vector<128x128xi32> to vector<128x128xf32>
      %convert_element_type3A_39 = arith.truncf %convert_element_type3A_38 : vector<128x128xf32> to vector<128x128xbf16>
      %slice3A = vector.extract_strided_slice %convert_element_type3A_26 {offsets = [0, 0], sizes = [128, 256], strides = [1, 1]} : vector<512x256xf32> to vector<128x256xf32>
      %convert_element_type3A_40 = arith.truncf %slice3A : vector<128x256xf32> to vector<128x256xbf16>
      %dot_general3A = arith.constant dense<0.000000e+00> : vector<128x256xf32>
      %dot_general3A_41 = tpu.matmul %convert_element_type3A_39, %convert_element_type3A_40, %dot_general3A {dimension_numbers = #tpu.dot_dimension_numbers<[1], [0], [0], [1], [0, 0, 1, 1], [], []>, transpose_lhs_hint = false} : vector<128x128xbf16>, vector<128x256xbf16>, vector<128x256xf32> -> vector<128x256xf32>
      %add3A = arith.addf %get3A_34, %get3A_30 : vector<256xf32>
      %broadcast_in_dim3A_42 = vector.shape_cast %add3A : vector<256xf32> to vector<1x256xf32>
      %add3A_43 = vector.broadcast %broadcast_in_dim3A_42 : vector<1x256xf32> to vector<128x256xf32>
      %add3A_44 = arith.addf %dot_general3A_41, %add3A_43 : vector<128x256xf32>
      %mul3A_45 = arith.mulf %add3A_44, %slice3A : vector<128x256xf32>
      %reduce_sum3A = arith.constant dense<0.000000e+00> : vector<128xf32>
      %reduce_sum3A_46 = vector.multi_reduction <add>, %mul3A_45, %reduce_sum3A [1] : vector<128x256xf32> to vector<128xf32>
      %convert_element_type3A_47 = arith.fptosi %reduce_sum3A_46 : vector<128xf32> to vector<128xi32>
      %swap3A_48 = arith.constant 0 : index
      %swap3A_49 = arith.constant 0 : index
      %swap3A_50 = arith.constant 0 : index
      %swap3A_51 = vector.load %arg7[%swap3A_48, %swap3A_49, %swap3A_50] : memref<1x4x128xi32, #tpu.memory_space<vmem>>, vector<1x1x128xi32>
      %swap3A_52 = vector.shape_cast %swap3A_51 : vector<1x1x128xi32> to vector<128xi32>
      %swap3A_53 = vector.shape_cast %convert_element_type3A_47 : vector<128xi32> to vector<1x1x128xi32>
      tpu.vector_store %arg7[%swap3A_48, %swap3A_49, %swap3A_50], %swap3A_53 {strides = array<i32>} : memref<1x4x128xi32, #tpu.memory_space<vmem>>, vector<1x1x128xi32>,
      %reduce_sum3A_54 = arith.constant dense<0.000000e+00> : vector<256xf32>
      %reduce_sum3A_55 = vector.multi_reduction <add>, %slice3A, %reduce_sum3A_54 [0] : vector<128x256xf32> to vector<256xf32>
      %add3A_56 = arith.addf %get3A_34, %reduce_sum3A_55 : vector<256xf32>
      %slice3A_57 = vector.extract_strided_slice %convert_element_type3A_26 {offsets = [128, 0], sizes = [128, 256], strides = [1, 1]} : vector<512x256xf32> to vector<128x256xf32>
      %convert_element_type3A_58 = arith.truncf %slice3A_57 : vector<128x256xf32> to vector<128x256xbf16>
      %dot_general3A_59 = arith.constant dense<0.000000e+00> : vector<128x256xf32>
      %dot_general3A_60 = tpu.matmul %convert_element_type3A_39, %convert_element_type3A_58, %dot_general3A_59 {dimension_numbers = #tpu.dot_dimension_numbers<[1], [0], [0], [1], [0, 0, 1, 1], [], []>, transpose_lhs_hint = false} : vector<128x128xbf16>, vector<128x256xbf16>, vector<128x256xf32> -> vector<128x256xf32>
      %add3A_61 = arith.addf %add3A_56, %get3A_30 : vector<256xf32>
      %broadcast_in_dim3A_62 = vector.shape_cast %add3A_61 : vector<256xf32> to vector<1x256xf32>
      %add3A_63 = vector.broadcast %broadcast_in_dim3A_62 : vector<1x256xf32> to vector<128x256xf32>
      %add3A_64 = arith.addf %dot_general3A_60, %add3A_63 : vector<128x256xf32>
      %mul3A_65 = arith.mulf %add3A_64, %slice3A_57 : vector<128x256xf32>
      %reduce_sum3A_66 = arith.constant dense<0.000000e+00> : vector<128xf32>
      %reduce_sum3A_67 = vector.multi_reduction <add>, %mul3A_65, %reduce_sum3A_66 [1] : vector<128x256xf32> to vector<128xf32>
      %convert_element_type3A_68 = arith.fptosi %reduce_sum3A_67 : vector<128xf32> to vector<128xi32>
      %swap3A_69 = arith.constant 0 : index
      %swap3A_70 = arith.constant 1 : index
      %swap3A_71 = arith.constant 0 : index
      %swap3A_72 = vector.load %arg7[%swap3A_69, %swap3A_70, %swap3A_71] : memref<1x4x128xi32, #tpu.memory_space<vmem>>, vector<1x1x128xi32>
      %swap3A_73 = vector.shape_cast %swap3A_72 : vector<1x1x128xi32> to vector<128xi32>
      %swap3A_74 = vector.shape_cast %convert_element_type3A_68 : vector<128xi32> to vector<1x1x128xi32>
      tpu.vector_store %arg7[%swap3A_69, %swap3A_70, %swap3A_71], %swap3A_74 {strides = array<i32>} : memref<1x4x128xi32, #tpu.memory_space<vmem>>, vector<1x1x128xi32>,
      %reduce_sum3A_75 = arith.constant dense<0.000000e+00> : vector<256xf32>
      %reduce_sum3A_76 = vector.multi_reduction <add>, %slice3A_57, %reduce_sum3A_75 [0] : vector<128x256xf32> to vector<256xf32>
      %add3A_77 = arith.addf %add3A_56, %reduce_sum3A_76 : vector<256xf32>
      %slice3A_78 = vector.extract_strided_slice %convert_element_type3A_26 {offsets = [256, 0], sizes = [128, 256], strides = [1, 1]} : vector<512x256xf32> to vector<128x256xf32>
      %convert_element_type3A_79 = arith.truncf %slice3A_78 : vector<128x256xf32> to vector<128x256xbf16>
      %dot_general3A_80 = arith.constant dense<0.000000e+00> : vector<128x256xf32>
      %dot_general3A_81 = tpu.matmul %convert_element_type3A_39, %convert_element_type3A_79, %dot_general3A_80 {dimension_numbers = #tpu.dot_dimension_numbers<[1], [0], [0], [1], [0, 0, 1, 1], [], []>, transpose_lhs_hint = false} : vector<128x128xbf16>, vector<128x256xbf16>, vector<128x256xf32> -> vector<128x256xf32>
      %add3A_82 = arith.addf %add3A_77, %get3A_30 : vector<256xf32>
      %broadcast_in_dim3A_83 = vector.shape_cast %add3A_82 : vector<256xf32> to vector<1x256xf32>
      %add3A_84 = vector.broadcast %broadcast_in_dim3A_83 : vector<1x256xf32> to vector<128x256xf32>
      %add3A_85 = arith.addf %dot_general3A_81, %add3A_84 : vector<128x256xf32>
      %mul3A_86 = arith.mulf %add3A_85, %slice3A_78 : vector<128x256xf32>
      %reduce_sum3A_87 = arith.constant dense<0.000000e+00> : vector<128xf32>
      %reduce_sum3A_88 = vector.multi_reduction <add>, %mul3A_86, %reduce_sum3A_87 [1] : vector<128x256xf32> to vector<128xf32>
      %convert_element_type3A_89 = arith.fptosi %reduce_sum3A_88 : vector<128xf32> to vector<128xi32>
      %swap3A_90 = arith.constant 0 : index
      %swap3A_91 = arith.constant 2 : index
      %swap3A_92 = arith.constant 0 : index
      %swap3A_93 = vector.load %arg7[%swap3A_90, %swap3A_91, %swap3A_92] : memref<1x4x128xi32, #tpu.memory_space<vmem>>, vector<1x1x128xi32>
      %swap3A_94 = vector.shape_cast %swap3A_93 : vector<1x1x128xi32> to vector<128xi32>
      %swap3A_95 = vector.shape_cast %convert_element_type3A_89 : vector<128xi32> to vector<1x1x128xi32>
      tpu.vector_store %arg7[%swap3A_90, %swap3A_91, %swap3A_92], %swap3A_95 {strides = array<i32>} : memref<1x4x128xi32, #tpu.memory_space<vmem>>, vector<1x1x128xi32>,
      %reduce_sum3A_96 = arith.constant dense<0.000000e+00> : vector<256xf32>
      %reduce_sum3A_97 = vector.multi_reduction <add>, %slice3A_78, %reduce_sum3A_96 [0] : vector<128x256xf32> to vector<256xf32>
      %add3A_98 = arith.addf %add3A_77, %reduce_sum3A_97 : vector<256xf32>
      %slice3A_99 = vector.extract_strided_slice %convert_element_type3A_26 {offsets = [384, 0], sizes = [128, 256], strides = [1, 1]} : vector<512x256xf32> to vector<128x256xf32>
      %convert_element_type3A_100 = arith.truncf %slice3A_99 : vector<128x256xf32> to vector<128x256xbf16>
      %dot_general3A_101 = arith.constant dense<0.000000e+00> : vector<128x256xf32>
      %dot_general3A_102 = tpu.matmul %convert_element_type3A_39, %convert_element_type3A_100, %dot_general3A_101 {dimension_numbers = #tpu.dot_dimension_numbers<[1], [0], [0], [1], [0, 0, 1, 1], [], []>, transpose_lhs_hint = false} : vector<128x128xbf16>, vector<128x256xbf16>, vector<128x256xf32> -> vector<128x256xf32>
      %add3A_103 = arith.addf %add3A_98, %get3A_30 : vector<256xf32>
      %broadcast_in_dim3A_104 = vector.shape_cast %add3A_103 : vector<256xf32> to vector<1x256xf32>
      %add3A_105 = vector.broadcast %broadcast_in_dim3A_104 : vector<1x256xf32> to vector<128x256xf32>
      %add3A_106 = arith.addf %dot_general3A_102, %add3A_105 : vector<128x256xf32>
      %mul3A_107 = arith.mulf %add3A_106, %slice3A_99 : vector<128x256xf32>
      %reduce_sum3A_108 = arith.constant dense<0.000000e+00> : vector<128xf32>
      %reduce_sum3A_109 = vector.multi_reduction <add>, %mul3A_107, %reduce_sum3A_108 [1] : vector<128x256xf32> to vector<128xf32>
      %convert_element_type3A_110 = arith.fptosi %reduce_sum3A_109 : vector<128xf32> to vector<128xi32>
      %swap3A_111 = arith.constant 0 : index
      %swap3A_112 = arith.constant 3 : index
      %swap3A_113 = arith.constant 0 : index
      %swap3A_114 = vector.load %arg7[%swap3A_111, %swap3A_112, %swap3A_113] : memref<1x4x128xi32, #tpu.memory_space<vmem>>, vector<1x1x128xi32>
      %swap3A_115 = vector.shape_cast %swap3A_114 : vector<1x1x128xi32> to vector<128xi32>
      %swap3A_116 = vector.shape_cast %convert_element_type3A_110 : vector<128xi32> to vector<1x1x128xi32>
      tpu.vector_store %arg7[%swap3A_111, %swap3A_112, %swap3A_113], %swap3A_116 {strides = array<i32>} : memref<1x4x128xi32, #tpu.memory_space<vmem>>, vector<1x1x128xi32>,
      %reduce_sum3A_117 = arith.constant dense<0.000000e+00> : vector<256xf32>
      %reduce_sum3A_118 = vector.multi_reduction <add>, %slice3A_99, %reduce_sum3A_117 [0] : vector<128x256xf32> to vector<256xf32>
      %add3A_119 = arith.addf %add3A_98, %reduce_sum3A_118 : vector<256xf32>
      %swap3A_120 = arith.constant 2 : index
      %swap3A_121 = arith.constant 0 : index
      %swap3A_122 = vector.load %arg10[%swap3A_120, %swap3A_121] : memref<8x256xf32, #tpu.memory_space<vmem>>, vector<1x256xf32>
      %swap3A_123 = vector.shape_cast %swap3A_122 : vector<1x256xf32> to vector<256xf32>
      %swap3A_124 = vector.shape_cast %add3A_119 : vector<256xf32> to vector<1x256xf32>
      tpu.vector_store %arg10[%swap3A_120, %swap3A_121], %swap3A_124 {strides = array<i32>} : memref<8x256xf32, #tpu.memory_space<vmem>>, vector<1x256xf32>,
    } else {
    }
    return
  }
  func.func @transform_0(%arg0: i32, %arg1: i32) -> i32 {
    %c0_i32 = arith.constant 0 : i32
    %c0_i32_0 = arith.constant 0 : i32
    return %c0_i32 : i32
  }
  func.func @transform_1(%arg0: i32, %arg1: i32) -> (i32, i32) {
    %c0_i32 = arith.constant 0 : i32
    %c0_i32_0 = arith.constant 0 : i32
    return %arg1, %c0_i32 : i32, i32
  }
  func.func @transform_2(%arg0: i32, %arg1: i32) -> (i32, i32) {
    %c0_i32 = arith.constant 0 : i32
    %c0_i32_0 = arith.constant 0 : i32
    %c0_i32_1 = arith.constant 0 : i32
    return %c0_i32, %c0_i32_0 : i32, i32
  }
  func.func @transform_3(%arg0: i32, %arg1: i32) -> (i32, i32, i32) {
    %sub3A = arith.constant 1 : i32
    %sub3A_0 = arith.subi %sub3A, %arg0 : i32
    %mul3A = arith.muli %arg1, %sub3A_0 : i32
    %c0_i32 = arith.constant 0 : i32
    %c0_i32_1 = arith.constant 0 : i32
    %c0_i32_2 = arith.constant 0 : i32
    return %c0_i32, %mul3A, %c0_i32_1 : i32, i32, i32
  }
  func.func @transform_4(%arg0: i32, %arg1: i32) -> (i32, i32) {
    %c0_i32 = arith.constant 0 : i32
    %c0_i32_0 = arith.constant 0 : i32
    return %arg1, %c0_i32 : i32, i32
  }
  func.func @transform_5(%arg0: i32, %arg1: i32) -> (i32, i32, i32) {
    %c0_i32 = arith.constant 0 : i32
    %c0_i32_0 = arith.constant 0 : i32
    %c0_i32_1 = arith.constant 0 : i32
    return %arg1, %c0_i32, %c0_i32_0 : i32, i32, i32
  }
  func.func @transform_6(%arg0: i32, %arg1: i32) -> i32 {
    %c0_i32 = arith.constant 0 : i32
    %c0_i32_0 = arith.constant 0 : i32
    return %c0_i32 : i32
  }
  func.func @transform_7(%arg0: i32, %arg1: i32) -> (i32, i32) {
    %c0_i32 = arith.constant 0 : i32
    %c0_i32_0 = arith.constant 0 : i32
    %c0_i32_1 = arith.constant 0 : i32
    return %c0_i32, %c0_i32_0 : i32, i32
  }
}

module attributes {stable_mosaic.version = 14 : i64} {
  func.func @_seg_mm_kernel(%arg0: i32, %arg1: memref<256xi32, #tpu.memory_space<smem>>, %arg2: memref<2x128xi32, #tpu.memory_space<smem>>, %arg3: memref<256xi32, #tpu.memory_space<vmem>>, %arg4: memref<512x128xf32, #tpu.memory_space<vmem>>, %arg5: memref<169x128x128xf32, #tpu.memory_space<vmem>>, %arg6: memref<256x128xbf16, #tpu.memory_space<vmem>>, %arg7: memref<512x128xf32, #tpu.memory_space<vmem>>) attributes {dimension_semantics = [#tpu.dimension_semantics<arbitrary>], iteration_bounds = array<i64: 16>, scalar_prefetch = 0 : i64, scratch_operands = 0 : i64, tpu.core_type = #tpu.core_type<tc>, window_params = [{transform_indices = @transform_0, window_bounds = array<i64: 256>}, {transform_indices = @transform_1, window_bounds = array<i64: 2, 128>}, {pipeline_mode = #tpu.pipeline_mode<synchronous>, transform_indices = @transform_2, window_bounds = array<i64: 256>}, {transform_indices = @transform_3, window_bounds = array<i64: 512, 128>}, {pipeline_mode = #tpu.pipeline_mode<synchronous>, transform_indices = @transform_4, window_bounds = array<i64: 169, 128, 128>}, {pipeline_mode = #tpu.pipeline_mode<synchronous>, transform_indices = @transform_5, window_bounds = array<i64: 256, 128>}, {transform_indices = @transform_6, window_bounds = array<i64: 512, 128>}]} {
    %get3A = arith.constant 0 : index
    %get3A_0 = arith.index_cast %arg0 : i32 to index
    %get3A_1 = memref.load %arg2[%get3A, %get3A_0] : memref<2x128xi32, #tpu.memory_space<smem>>
    %get3A_2 = arith.constant 1 : index
    %get3A_3 = arith.index_cast %arg0 : i32 to index
    %get3A_4 = memref.load %arg2[%get3A_2, %get3A_3] : memref<2x128xi32, #tpu.memory_space<smem>>
    %get3A_5 = arith.constant 0 : index
    %get3A_6 = arith.constant 0 : index
    %get3A_7 = vector.load %arg4[%get3A_5, %get3A_6] : memref<512x128xf32, #tpu.memory_space<vmem>>, vector<512x128xf32>
    %convert_element_type3A = arith.truncf %get3A_7 : vector<512x128xf32> to vector<512x128xbf16>
    %iota3A = tpu.iota {dimensions = array<i32: 1>} : vector<1x512xi32>
    %iota3A_8 = vector.shape_cast %iota3A : vector<1x512xi32> to vector<512xi32>
    %mul3A = arith.constant 512 : i32
    %mul3A_9 = arith.muli %arg0, %mul3A : i32
    %add3A = vector.broadcast %mul3A_9 : i32 to vector<512xi32>
    %add3A_10 = arith.addi %iota3A_8, %add3A : vector<512xi32>
    %get3A_11 = arith.constant 0 : index
    %get3A_12 = vector.load %arg3[%get3A_11] : memref<256xi32, #tpu.memory_space<vmem>>, vector<256xi32>
    %broadcast_in_dim3A = vector.shape_cast %get3A_12 : vector<256xi32> to vector<1x256xi32>
    %broadcast_in_dim3A_13 = vector.shape_cast %add3A_10 : vector<512xi32> to vector<512x1xi32>
    %le3A = vector.broadcast %broadcast_in_dim3A : vector<1x256xi32> to vector<512x256xi32>
    %le3A_14 = vector.broadcast %broadcast_in_dim3A_13 : vector<512x1xi32> to vector<512x256xi32>
    %le3A_15 = arith.cmpi sle, %le3A, %le3A_14 : vector<512x256xi32>
    %convert_element_type3A_16 = arith.extui %le3A_15 : vector<512x256xi1> to vector<512x256xi32>
    %reduce_sum3A = arith.constant dense<0> : vector<512xi32>
    %reduce_sum3A_17 = vector.multi_reduction <add>, %convert_element_type3A_16, %reduce_sum3A [1] : vector<512x256xi32> to vector<512xi32>
    %sub3A = arith.constant 1 : i32
    %sub3A_18 = vector.broadcast %sub3A : i32 to vector<512xi32>
    %sub3A_19 = arith.subi %reduce_sum3A_17, %sub3A_18 : vector<512xi32>
    %iota3A_20 = tpu.iota {dimensions = array<i32: 1>} : vector<512x256xi32>
    %broadcast_in_dim3A_21 = vector.shape_cast %sub3A_19 : vector<512xi32> to vector<512x1xi32>
    %eq3A = vector.broadcast %broadcast_in_dim3A_21 : vector<512x1xi32> to vector<512x256xi32>
    %eq3A_22 = arith.cmpi eq, %iota3A_20, %eq3A : vector<512x256xi32>
    %convert_element_type3A_23 = arith.extui %eq3A_22 : vector<512x256xi1> to vector<512x256xi32>
    %convert_element_type3A_24 = arith.sitofp %convert_element_type3A_23 : vector<512x256xi32> to vector<512x256xf32>
    %convert_element_type3A_25 = arith.truncf %convert_element_type3A_24 : vector<512x256xf32> to vector<512x256xbf16>
    %get3A_26 = arith.constant 0 : index
    %get3A_27 = arith.constant 0 : index
    %get3A_28 = vector.load %arg6[%get3A_26, %get3A_27] : memref<256x128xbf16, #tpu.memory_space<vmem>>, vector<256x128xbf16>
    %dot_general3A = arith.constant dense<0.000000e+00> : vector<512x128xf32>
    %dot_general3A_29 = tpu.matmul %convert_element_type3A_25, %get3A_28, %dot_general3A {dimension_numbers = #tpu.dot_dimension_numbers<[1], [0], [0], [1], [0, 0, 1, 1], [], []>, transpose_lhs_hint = false} : vector<512x256xbf16>, vector<256x128xbf16>, vector<512x128xf32> -> vector<512x128xf32>
    %sub3A_30 = arith.subi %get3A_4, %get3A_1 : i32
    %jit3A = arith.constant 16 : i32
    %div3A = arith.divsi %sub3A_30, %jit3A : i32
    %sign3A = arith.constant 0 : i32
    %sign3A_31 = arith.cmpi sgt, %sub3A_30, %sign3A : i32
    %sign3A_32 = arith.extui %sign3A_31 : i1 to i32
    %sign3A_33 = arith.constant 0 : i32
    %sign3A_34 = arith.cmpi slt, %sub3A_30, %sign3A_33 : i32
    %sign3A_35 = arith.extui %sign3A_34 : i1 to i32
    %sign3A_36 = arith.subi %sign3A_32, %sign3A_35 : i32
    %sign3A_37 = arith.constant 0 : i32
    %sign3A_38 = arith.cmpi sgt, %jit3A, %sign3A_37 : i32
    %sign3A_39 = arith.extui %sign3A_38 : i1 to i32
    %sign3A_40 = arith.constant 0 : i32
    %sign3A_41 = arith.cmpi slt, %jit3A, %sign3A_40 : i32
    %sign3A_42 = arith.extui %sign3A_41 : i1 to i32
    %sign3A_43 = arith.subi %sign3A_39, %sign3A_42 : i32
    %ne3A = arith.cmpi ne, %sign3A_36, %sign3A_43 : i32
    %rem3A = arith.remsi %sub3A_30, %jit3A : i32
    %ne3A_44 = arith.constant 0 : i32
    %ne3A_45 = arith.cmpi ne, %rem3A, %ne3A_44 : i32
    %and3A = arith.andi %ne3A, %ne3A_45 : i1
    %sub3A_46 = arith.constant 1 : i32
    %sub3A_47 = arith.subi %div3A, %sub3A_46 : i32
    %select_n3A = arith.select %and3A, %sub3A_47, %div3A : i32
    %add3A_48 = arith.constant 1 : i32
    %add3A_49 = arith.addi %select_n3A, %add3A_48 : i32
    %while3A = arith.constant 0 : i32
    %while3A_50 = arith.subi %add3A_49, %while3A : i32
    %while3A_51 = arith.addi %while3A, %while3A_50 : i32
    %while3A_52 = arith.constant 1 : i32
    %while3A_53 = arith.divsi %while3A_50, %while3A_52 : i32
    %while3A_54 = arith.muli %while3A_53, %while3A_52 : i32
    %while3A_55 = arith.addi %while3A, %while3A_54 : i32
    %while3A_56 = arith.constant 1 : i32
    %while3A_57 = scf.for %while3A_62 = %while3A to %while3A_55 step %while3A_56 iter_args(%while3A_63 = %dot_general3A_29) -> (vector<512x128xf32>)  : i32 {
      %mul3A_64 = arith.constant 16 : i32
      %mul3A_65 = arith.muli %while3A_62, %mul3A_64 : i32
      %add3A_66 = arith.addi %get3A_1, %mul3A_65 : i32
      %min3A = arith.constant 153 : i32
      %min3A_67 = arith.minsi %add3A_66, %min3A : i32
      %sub3A_68 = arith.subi %add3A_66, %min3A_67 : i32
      %get3A_69 = arith.index_cast %min3A_67 : i32 to index
      %get3A_70 = arith.constant 0 : index
      %get3A_71 = arith.constant 0 : index
      %get3A_72 = vector.load %arg5[%get3A_69, %get3A_70, %get3A_71] : memref<169x128x128xf32, #tpu.memory_space<vmem>>, vector<16x128x128xf32>
      %reshape3A = vector.shape_cast %get3A_72 : vector<16x128x128xf32> to vector<2048x128xf32>
      %convert_element_type3A_73 = arith.truncf %reshape3A : vector<2048x128xf32> to vector<2048x128xbf16>
      %add3A_74 = arith.constant 0 : i32
      %add3A_75 = arith.addi %min3A_67, %add3A_74 : i32
      %get3A_76 = arith.index_cast %add3A_75 : i32 to index
      %get3A_77 = memref.load %arg1[%get3A_76] : memref<256xi32, #tpu.memory_space<smem>>
      %add3A_78 = arith.constant 0 : i32
      %add3A_79 = arith.addi %min3A_67, %add3A_78 : i32
      %add3A_80 = arith.constant 1 : i32
      %add3A_81 = arith.addi %add3A_79, %add3A_80 : i32
      %get3A_82 = arith.index_cast %add3A_81 : i32 to index
      %get3A_83 = memref.load %arg1[%get3A_82] : memref<256xi32, #tpu.memory_space<smem>>
      %ge3A = vector.broadcast %get3A_77 : i32 to vector<512xi32>
      %ge3A_84 = arith.cmpi sge, %add3A_10, %ge3A : vector<512xi32>
      %lt3A = vector.broadcast %get3A_83 : i32 to vector<512xi32>
      %lt3A_85 = arith.cmpi slt, %add3A_10, %lt3A : vector<512xi32>
      %and3A_86 = arith.andi %ge3A_84, %lt3A_85 : vector<512xi1>
      %le3A_87 = arith.constant 0 : i32
      %le3A_88 = arith.cmpi sle, %sub3A_68, %le3A_87 : i32
      %and3A_89 = vector.broadcast %le3A_88 : i1 to vector<512xi1>
      %and3A_90 = arith.andi %and3A_86, %and3A_89 : vector<512xi1>
      %convert_element_type3A_91 = arith.extui %and3A_90 : vector<512xi1> to vector<512xi32>
      %convert_element_type3A_92 = arith.sitofp %convert_element_type3A_91 : vector<512xi32> to vector<512xf32>
      %convert_element_type3A_93 = arith.truncf %convert_element_type3A_92 : vector<512xf32> to vector<512xbf16>
      %broadcast_in_dim3A_94 = vector.shape_cast %convert_element_type3A_93 : vector<512xbf16> to vector<512x1xbf16>
      %mul3A_95 = vector.broadcast %broadcast_in_dim3A_94 : vector<512x1xbf16> to vector<512x128xbf16>
      %mul3A_96 = arith.mulf %convert_element_type3A, %mul3A_95 : vector<512x128xbf16>
      %add3A_97 = arith.constant 1 : i32
      %add3A_98 = arith.addi %min3A_67, %add3A_97 : i32
      %get3A_99 = arith.index_cast %add3A_98 : i32 to index
      %get3A_100 = memref.load %arg1[%get3A_99] : memref<256xi32, #tpu.memory_space<smem>>
      %add3A_101 = arith.constant 1 : i32
      %add3A_102 = arith.addi %min3A_67, %add3A_101 : i32
      %add3A_103 = arith.constant 1 : i32
      %add3A_104 = arith.addi %add3A_102, %add3A_103 : i32
      %get3A_105 = arith.index_cast %add3A_104 : i32 to index
      %get3A_106 = memref.load %arg1[%get3A_105] : memref<256xi32, #tpu.memory_space<smem>>
      %ge3A_107 = vector.broadcast %get3A_100 : i32 to vector<512xi32>
      %ge3A_108 = arith.cmpi sge, %add3A_10, %ge3A_107 : vector<512xi32>
      %lt3A_109 = vector.broadcast %get3A_106 : i32 to vector<512xi32>
      %lt3A_110 = arith.cmpi slt, %add3A_10, %lt3A_109 : vector<512xi32>
      %and3A_111 = arith.andi %ge3A_108, %lt3A_110 : vector<512xi1>
      %le3A_112 = arith.constant 1 : i32
      %le3A_113 = arith.cmpi sle, %sub3A_68, %le3A_112 : i32
      %and3A_114 = vector.broadcast %le3A_113 : i1 to vector<512xi1>
      %and3A_115 = arith.andi %and3A_111, %and3A_114 : vector<512xi1>
      %convert_element_type3A_116 = arith.extui %and3A_115 : vector<512xi1> to vector<512xi32>
      %convert_element_type3A_117 = arith.sitofp %convert_element_type3A_116 : vector<512xi32> to vector<512xf32>
      %convert_element_type3A_118 = arith.truncf %convert_element_type3A_117 : vector<512xf32> to vector<512xbf16>
      %broadcast_in_dim3A_119 = vector.shape_cast %convert_element_type3A_118 : vector<512xbf16> to vector<512x1xbf16>
      %mul3A_120 = vector.broadcast %broadcast_in_dim3A_119 : vector<512x1xbf16> to vector<512x128xbf16>
      %mul3A_121 = arith.mulf %convert_element_type3A, %mul3A_120 : vector<512x128xbf16>
      %add3A_122 = arith.constant 2 : i32
      %add3A_123 = arith.addi %min3A_67, %add3A_122 : i32
      %get3A_124 = arith.index_cast %add3A_123 : i32 to index
      %get3A_125 = memref.load %arg1[%get3A_124] : memref<256xi32, #tpu.memory_space<smem>>
      %add3A_126 = arith.constant 2 : i32
      %add3A_127 = arith.addi %min3A_67, %add3A_126 : i32
      %add3A_128 = arith.constant 1 : i32
      %add3A_129 = arith.addi %add3A_127, %add3A_128 : i32
      %get3A_130 = arith.index_cast %add3A_129 : i32 to index
      %get3A_131 = memref.load %arg1[%get3A_130] : memref<256xi32, #tpu.memory_space<smem>>
      %ge3A_132 = vector.broadcast %get3A_125 : i32 to vector<512xi32>
      %ge3A_133 = arith.cmpi sge, %add3A_10, %ge3A_132 : vector<512xi32>
      %lt3A_134 = vector.broadcast %get3A_131 : i32 to vector<512xi32>
      %lt3A_135 = arith.cmpi slt, %add3A_10, %lt3A_134 : vector<512xi32>
      %and3A_136 = arith.andi %ge3A_133, %lt3A_135 : vector<512xi1>
      %le3A_137 = arith.constant 2 : i32
      %le3A_138 = arith.cmpi sle, %sub3A_68, %le3A_137 : i32
      %and3A_139 = vector.broadcast %le3A_138 : i1 to vector<512xi1>
      %and3A_140 = arith.andi %and3A_136, %and3A_139 : vector<512xi1>
      %convert_element_type3A_141 = arith.extui %and3A_140 : vector<512xi1> to vector<512xi32>
      %convert_element_type3A_142 = arith.sitofp %convert_element_type3A_141 : vector<512xi32> to vector<512xf32>
      %convert_element_type3A_143 = arith.truncf %convert_element_type3A_142 : vector<512xf32> to vector<512xbf16>
      %broadcast_in_dim3A_144 = vector.shape_cast %convert_element_type3A_143 : vector<512xbf16> to vector<512x1xbf16>
      %mul3A_145 = vector.broadcast %broadcast_in_dim3A_144 : vector<512x1xbf16> to vector<512x128xbf16>
      %mul3A_146 = arith.mulf %convert_element_type3A, %mul3A_145 : vector<512x128xbf16>
      %add3A_147 = arith.constant 3 : i32
      %add3A_148 = arith.addi %min3A_67, %add3A_147 : i32
      %get3A_149 = arith.index_cast %add3A_148 : i32 to index
      %get3A_150 = memref.load %arg1[%get3A_149] : memref<256xi32, #tpu.memory_space<smem>>
      %add3A_151 = arith.constant 3 : i32
      %add3A_152 = arith.addi %min3A_67, %add3A_151 : i32
      %add3A_153 = arith.constant 1 : i32
      %add3A_154 = arith.addi %add3A_152, %add3A_153 : i32
      %get3A_155 = arith.index_cast %add3A_154 : i32 to index
      %get3A_156 = memref.load %arg1[%get3A_155] : memref<256xi32, #tpu.memory_space<smem>>
      %ge3A_157 = vector.broadcast %get3A_150 : i32 to vector<512xi32>
      %ge3A_158 = arith.cmpi sge, %add3A_10, %ge3A_157 : vector<512xi32>
      %lt3A_159 = vector.broadcast %get3A_156 : i32 to vector<512xi32>
      %lt3A_160 = arith.cmpi slt, %add3A_10, %lt3A_159 : vector<512xi32>
      %and3A_161 = arith.andi %ge3A_158, %lt3A_160 : vector<512xi1>
      %le3A_162 = arith.constant 3 : i32
      %le3A_163 = arith.cmpi sle, %sub3A_68, %le3A_162 : i32
      %and3A_164 = vector.broadcast %le3A_163 : i1 to vector<512xi1>
      %and3A_165 = arith.andi %and3A_161, %and3A_164 : vector<512xi1>
      %convert_element_type3A_166 = arith.extui %and3A_165 : vector<512xi1> to vector<512xi32>
      %convert_element_type3A_167 = arith.sitofp %convert_element_type3A_166 : vector<512xi32> to vector<512xf32>
      %convert_element_type3A_168 = arith.truncf %convert_element_type3A_167 : vector<512xf32> to vector<512xbf16>
      %broadcast_in_dim3A_169 = vector.shape_cast %convert_element_type3A_168 : vector<512xbf16> to vector<512x1xbf16>
      %mul3A_170 = vector.broadcast %broadcast_in_dim3A_169 : vector<512x1xbf16> to vector<512x128xbf16>
      %mul3A_171 = arith.mulf %convert_element_type3A, %mul3A_170 : vector<512x128xbf16>
      %add3A_172 = arith.constant 4 : i32
      %add3A_173 = arith.addi %min3A_67, %add3A_172 : i32
      %get3A_174 = arith.index_cast %add3A_173 : i32 to index
      %get3A_175 = memref.load %arg1[%get3A_174] : memref<256xi32, #tpu.memory_space<smem>>
      %add3A_176 = arith.constant 4 : i32
      %add3A_177 = arith.addi %min3A_67, %add3A_176 : i32
      %add3A_178 = arith.constant 1 : i32
      %add3A_179 = arith.addi %add3A_177, %add3A_178 : i32
      %get3A_180 = arith.index_cast %add3A_179 : i32 to index
      %get3A_181 = memref.load %arg1[%get3A_180] : memref<256xi32, #tpu.memory_space<smem>>
      %ge3A_182 = vector.broadcast %get3A_175 : i32 to vector<512xi32>
      %ge3A_183 = arith.cmpi sge, %add3A_10, %ge3A_182 : vector<512xi32>
      %lt3A_184 = vector.broadcast %get3A_181 : i32 to vector<512xi32>
      %lt3A_185 = arith.cmpi slt, %add3A_10, %lt3A_184 : vector<512xi32>
      %and3A_186 = arith.andi %ge3A_183, %lt3A_185 : vector<512xi1>
      %le3A_187 = arith.constant 4 : i32
      %le3A_188 = arith.cmpi sle, %sub3A_68, %le3A_187 : i32
      %and3A_189 = vector.broadcast %le3A_188 : i1 to vector<512xi1>
      %and3A_190 = arith.andi %and3A_186, %and3A_189 : vector<512xi1>
      %convert_element_type3A_191 = arith.extui %and3A_190 : vector<512xi1> to vector<512xi32>
      %convert_element_type3A_192 = arith.sitofp %convert_element_type3A_191 : vector<512xi32> to vector<512xf32>
      %convert_element_type3A_193 = arith.truncf %convert_element_type3A_192 : vector<512xf32> to vector<512xbf16>
      %broadcast_in_dim3A_194 = vector.shape_cast %convert_element_type3A_193 : vector<512xbf16> to vector<512x1xbf16>
      %mul3A_195 = vector.broadcast %broadcast_in_dim3A_194 : vector<512x1xbf16> to vector<512x128xbf16>
      %mul3A_196 = arith.mulf %convert_element_type3A, %mul3A_195 : vector<512x128xbf16>
      %add3A_197 = arith.constant 5 : i32
      %add3A_198 = arith.addi %min3A_67, %add3A_197 : i32
      %get3A_199 = arith.index_cast %add3A_198 : i32 to index
      %get3A_200 = memref.load %arg1[%get3A_199] : memref<256xi32, #tpu.memory_space<smem>>
      %add3A_201 = arith.constant 5 : i32
      %add3A_202 = arith.addi %min3A_67, %add3A_201 : i32
      %add3A_203 = arith.constant 1 : i32
      %add3A_204 = arith.addi %add3A_202, %add3A_203 : i32
      %get3A_205 = arith.index_cast %add3A_204 : i32 to index
      %get3A_206 = memref.load %arg1[%get3A_205] : memref<256xi32, #tpu.memory_space<smem>>
      %ge3A_207 = vector.broadcast %get3A_200 : i32 to vector<512xi32>
      %ge3A_208 = arith.cmpi sge, %add3A_10, %ge3A_207 : vector<512xi32>
      %lt3A_209 = vector.broadcast %get3A_206 : i32 to vector<512xi32>
      %lt3A_210 = arith.cmpi slt, %add3A_10, %lt3A_209 : vector<512xi32>
      %and3A_211 = arith.andi %ge3A_208, %lt3A_210 : vector<512xi1>
      %le3A_212 = arith.constant 5 : i32
      %le3A_213 = arith.cmpi sle, %sub3A_68, %le3A_212 : i32
      %and3A_214 = vector.broadcast %le3A_213 : i1 to vector<512xi1>
      %and3A_215 = arith.andi %and3A_211, %and3A_214 : vector<512xi1>
      %convert_element_type3A_216 = arith.extui %and3A_215 : vector<512xi1> to vector<512xi32>
      %convert_element_type3A_217 = arith.sitofp %convert_element_type3A_216 : vector<512xi32> to vector<512xf32>
      %convert_element_type3A_218 = arith.truncf %convert_element_type3A_217 : vector<512xf32> to vector<512xbf16>
      %broadcast_in_dim3A_219 = vector.shape_cast %convert_element_type3A_218 : vector<512xbf16> to vector<512x1xbf16>
      %mul3A_220 = vector.broadcast %broadcast_in_dim3A_219 : vector<512x1xbf16> to vector<512x128xbf16>
      %mul3A_221 = arith.mulf %convert_element_type3A, %mul3A_220 : vector<512x128xbf16>
      %add3A_222 = arith.constant 6 : i32
      %add3A_223 = arith.addi %min3A_67, %add3A_222 : i32
      %get3A_224 = arith.index_cast %add3A_223 : i32 to index
      %get3A_225 = memref.load %arg1[%get3A_224] : memref<256xi32, #tpu.memory_space<smem>>
      %add3A_226 = arith.constant 6 : i32
      %add3A_227 = arith.addi %min3A_67, %add3A_226 : i32
      %add3A_228 = arith.constant 1 : i32
      %add3A_229 = arith.addi %add3A_227, %add3A_228 : i32
      %get3A_230 = arith.index_cast %add3A_229 : i32 to index
      %get3A_231 = memref.load %arg1[%get3A_230] : memref<256xi32, #tpu.memory_space<smem>>
      %ge3A_232 = vector.broadcast %get3A_225 : i32 to vector<512xi32>
      %ge3A_233 = arith.cmpi sge, %add3A_10, %ge3A_232 : vector<512xi32>
      %lt3A_234 = vector.broadcast %get3A_231 : i32 to vector<512xi32>
      %lt3A_235 = arith.cmpi slt, %add3A_10, %lt3A_234 : vector<512xi32>
      %and3A_236 = arith.andi %ge3A_233, %lt3A_235 : vector<512xi1>
      %le3A_237 = arith.constant 6 : i32
      %le3A_238 = arith.cmpi sle, %sub3A_68, %le3A_237 : i32
      %and3A_239 = vector.broadcast %le3A_238 : i1 to vector<512xi1>
      %and3A_240 = arith.andi %and3A_236, %and3A_239 : vector<512xi1>
      %convert_element_type3A_241 = arith.extui %and3A_240 : vector<512xi1> to vector<512xi32>
      %convert_element_type3A_242 = arith.sitofp %convert_element_type3A_241 : vector<512xi32> to vector<512xf32>
      %convert_element_type3A_243 = arith.truncf %convert_element_type3A_242 : vector<512xf32> to vector<512xbf16>
      %broadcast_in_dim3A_244 = vector.shape_cast %convert_element_type3A_243 : vector<512xbf16> to vector<512x1xbf16>
      %mul3A_245 = vector.broadcast %broadcast_in_dim3A_244 : vector<512x1xbf16> to vector<512x128xbf16>
      %mul3A_246 = arith.mulf %convert_element_type3A, %mul3A_245 : vector<512x128xbf16>
      %add3A_247 = arith.constant 7 : i32
      %add3A_248 = arith.addi %min3A_67, %add3A_247 : i32
      %get3A_249 = arith.index_cast %add3A_248 : i32 to index
      %get3A_250 = memref.load %arg1[%get3A_249] : memref<256xi32, #tpu.memory_space<smem>>
      %add3A_251 = arith.constant 7 : i32
      %add3A_252 = arith.addi %min3A_67, %add3A_251 : i32
      %add3A_253 = arith.constant 1 : i32
      %add3A_254 = arith.addi %add3A_252, %add3A_253 : i32
      %get3A_255 = arith.index_cast %add3A_254 : i32 to index
      %get3A_256 = memref.load %arg1[%get3A_255] : memref<256xi32, #tpu.memory_space<smem>>
      %ge3A_257 = vector.broadcast %get3A_250 : i32 to vector<512xi32>
      %ge3A_258 = arith.cmpi sge, %add3A_10, %ge3A_257 : vector<512xi32>
      %lt3A_259 = vector.broadcast %get3A_256 : i32 to vector<512xi32>
      %lt3A_260 = arith.cmpi slt, %add3A_10, %lt3A_259 : vector<512xi32>
      %and3A_261 = arith.andi %ge3A_258, %lt3A_260 : vector<512xi1>
      %le3A_262 = arith.constant 7 : i32
      %le3A_263 = arith.cmpi sle, %sub3A_68, %le3A_262 : i32
      %and3A_264 = vector.broadcast %le3A_263 : i1 to vector<512xi1>
      %and3A_265 = arith.andi %and3A_261, %and3A_264 : vector<512xi1>
      %convert_element_type3A_266 = arith.extui %and3A_265 : vector<512xi1> to vector<512xi32>
      %convert_element_type3A_267 = arith.sitofp %convert_element_type3A_266 : vector<512xi32> to vector<512xf32>
      %convert_element_type3A_268 = arith.truncf %convert_element_type3A_267 : vector<512xf32> to vector<512xbf16>
      %broadcast_in_dim3A_269 = vector.shape_cast %convert_element_type3A_268 : vector<512xbf16> to vector<512x1xbf16>
      %mul3A_270 = vector.broadcast %broadcast_in_dim3A_269 : vector<512x1xbf16> to vector<512x128xbf16>
      %mul3A_271 = arith.mulf %convert_element_type3A, %mul3A_270 : vector<512x128xbf16>
      %add3A_272 = arith.constant 8 : i32
      %add3A_273 = arith.addi %min3A_67, %add3A_272 : i32
      %get3A_274 = arith.index_cast %add3A_273 : i32 to index
      %get3A_275 = memref.load %arg1[%get3A_274] : memref<256xi32, #tpu.memory_space<smem>>
      %add3A_276 = arith.constant 8 : i32
      %add3A_277 = arith.addi %min3A_67, %add3A_276 : i32
      %add3A_278 = arith.constant 1 : i32
      %add3A_279 = arith.addi %add3A_277, %add3A_278 : i32
      %get3A_280 = arith.index_cast %add3A_279 : i32 to index
      %get3A_281 = memref.load %arg1[%get3A_280] : memref<256xi32, #tpu.memory_space<smem>>
      %ge3A_282 = vector.broadcast %get3A_275 : i32 to vector<512xi32>
      %ge3A_283 = arith.cmpi sge, %add3A_10, %ge3A_282 : vector<512xi32>
      %lt3A_284 = vector.broadcast %get3A_281 : i32 to vector<512xi32>
      %lt3A_285 = arith.cmpi slt, %add3A_10, %lt3A_284 : vector<512xi32>
      %and3A_286 = arith.andi %ge3A_283, %lt3A_285 : vector<512xi1>
      %le3A_287 = arith.constant 8 : i32
      %le3A_288 = arith.cmpi sle, %sub3A_68, %le3A_287 : i32
      %and3A_289 = vector.broadcast %le3A_288 : i1 to vector<512xi1>
      %and3A_290 = arith.andi %and3A_286, %and3A_289 : vector<512xi1>
      %convert_element_type3A_291 = arith.extui %and3A_290 : vector<512xi1> to vector<512xi32>
      %convert_element_type3A_292 = arith.sitofp %convert_element_type3A_291 : vector<512xi32> to vector<512xf32>
      %convert_element_type3A_293 = arith.truncf %convert_element_type3A_292 : vector<512xf32> to vector<512xbf16>
      %broadcast_in_dim3A_294 = vector.shape_cast %convert_element_type3A_293 : vector<512xbf16> to vector<512x1xbf16>
      %mul3A_295 = vector.broadcast %broadcast_in_dim3A_294 : vector<512x1xbf16> to vector<512x128xbf16>
      %mul3A_296 = arith.mulf %convert_element_type3A, %mul3A_295 : vector<512x128xbf16>
      %add3A_297 = arith.constant 9 : i32
      %add3A_298 = arith.addi %min3A_67, %add3A_297 : i32
      %get3A_299 = arith.index_cast %add3A_298 : i32 to index
      %get3A_300 = memref.load %arg1[%get3A_299] : memref<256xi32, #tpu.memory_space<smem>>
      %add3A_301 = arith.constant 9 : i32
      %add3A_302 = arith.addi %min3A_67, %add3A_301 : i32
      %add3A_303 = arith.constant 1 : i32
      %add3A_304 = arith.addi %add3A_302, %add3A_303 : i32
      %get3A_305 = arith.index_cast %add3A_304 : i32 to index
      %get3A_306 = memref.load %arg1[%get3A_305] : memref<256xi32, #tpu.memory_space<smem>>
      %ge3A_307 = vector.broadcast %get3A_300 : i32 to vector<512xi32>
      %ge3A_308 = arith.cmpi sge, %add3A_10, %ge3A_307 : vector<512xi32>
      %lt3A_309 = vector.broadcast %get3A_306 : i32 to vector<512xi32>
      %lt3A_310 = arith.cmpi slt, %add3A_10, %lt3A_309 : vector<512xi32>
      %and3A_311 = arith.andi %ge3A_308, %lt3A_310 : vector<512xi1>
      %le3A_312 = arith.constant 9 : i32
      %le3A_313 = arith.cmpi sle, %sub3A_68, %le3A_312 : i32
      %and3A_314 = vector.broadcast %le3A_313 : i1 to vector<512xi1>
      %and3A_315 = arith.andi %and3A_311, %and3A_314 : vector<512xi1>
      %convert_element_type3A_316 = arith.extui %and3A_315 : vector<512xi1> to vector<512xi32>
      %convert_element_type3A_317 = arith.sitofp %convert_element_type3A_316 : vector<512xi32> to vector<512xf32>
      %convert_element_type3A_318 = arith.truncf %convert_element_type3A_317 : vector<512xf32> to vector<512xbf16>
      %broadcast_in_dim3A_319 = vector.shape_cast %convert_element_type3A_318 : vector<512xbf16> to vector<512x1xbf16>
      %mul3A_320 = vector.broadcast %broadcast_in_dim3A_319 : vector<512x1xbf16> to vector<512x128xbf16>
      %mul3A_321 = arith.mulf %convert_element_type3A, %mul3A_320 : vector<512x128xbf16>
      %add3A_322 = arith.constant 10 : i32
      %add3A_323 = arith.addi %min3A_67, %add3A_322 : i32
      %get3A_324 = arith.index_cast %add3A_323 : i32 to index
      %get3A_325 = memref.load %arg1[%get3A_324] : memref<256xi32, #tpu.memory_space<smem>>
      %add3A_326 = arith.constant 10 : i32
      %add3A_327 = arith.addi %min3A_67, %add3A_326 : i32
      %add3A_328 = arith.constant 1 : i32
      %add3A_329 = arith.addi %add3A_327, %add3A_328 : i32
      %get3A_330 = arith.index_cast %add3A_329 : i32 to index
      %get3A_331 = memref.load %arg1[%get3A_330] : memref<256xi32, #tpu.memory_space<smem>>
      %ge3A_332 = vector.broadcast %get3A_325 : i32 to vector<512xi32>
      %ge3A_333 = arith.cmpi sge, %add3A_10, %ge3A_332 : vector<512xi32>
      %lt3A_334 = vector.broadcast %get3A_331 : i32 to vector<512xi32>
      %lt3A_335 = arith.cmpi slt, %add3A_10, %lt3A_334 : vector<512xi32>
      %and3A_336 = arith.andi %ge3A_333, %lt3A_335 : vector<512xi1>
      %le3A_337 = arith.constant 10 : i32
      %le3A_338 = arith.cmpi sle, %sub3A_68, %le3A_337 : i32
      %and3A_339 = vector.broadcast %le3A_338 : i1 to vector<512xi1>
      %and3A_340 = arith.andi %and3A_336, %and3A_339 : vector<512xi1>
      %convert_element_type3A_341 = arith.extui %and3A_340 : vector<512xi1> to vector<512xi32>
      %convert_element_type3A_342 = arith.sitofp %convert_element_type3A_341 : vector<512xi32> to vector<512xf32>
      %convert_element_type3A_343 = arith.truncf %convert_element_type3A_342 : vector<512xf32> to vector<512xbf16>
      %broadcast_in_dim3A_344 = vector.shape_cast %convert_element_type3A_343 : vector<512xbf16> to vector<512x1xbf16>
      %mul3A_345 = vector.broadcast %broadcast_in_dim3A_344 : vector<512x1xbf16> to vector<512x128xbf16>
      %mul3A_346 = arith.mulf %convert_element_type3A, %mul3A_345 : vector<512x128xbf16>
      %add3A_347 = arith.constant 11 : i32
      %add3A_348 = arith.addi %min3A_67, %add3A_347 : i32
      %get3A_349 = arith.index_cast %add3A_348 : i32 to index
      %get3A_350 = memref.load %arg1[%get3A_349] : memref<256xi32, #tpu.memory_space<smem>>
      %add3A_351 = arith.constant 11 : i32
      %add3A_352 = arith.addi %min3A_67, %add3A_351 : i32
      %add3A_353 = arith.constant 1 : i32
      %add3A_354 = arith.addi %add3A_352, %add3A_353 : i32
      %get3A_355 = arith.index_cast %add3A_354 : i32 to index
      %get3A_356 = memref.load %arg1[%get3A_355] : memref<256xi32, #tpu.memory_space<smem>>
      %ge3A_357 = vector.broadcast %get3A_350 : i32 to vector<512xi32>
      %ge3A_358 = arith.cmpi sge, %add3A_10, %ge3A_357 : vector<512xi32>
      %lt3A_359 = vector.broadcast %get3A_356 : i32 to vector<512xi32>
      %lt3A_360 = arith.cmpi slt, %add3A_10, %lt3A_359 : vector<512xi32>
      %and3A_361 = arith.andi %ge3A_358, %lt3A_360 : vector<512xi1>
      %le3A_362 = arith.constant 11 : i32
      %le3A_363 = arith.cmpi sle, %sub3A_68, %le3A_362 : i32
      %and3A_364 = vector.broadcast %le3A_363 : i1 to vector<512xi1>
      %and3A_365 = arith.andi %and3A_361, %and3A_364 : vector<512xi1>
      %convert_element_type3A_366 = arith.extui %and3A_365 : vector<512xi1> to vector<512xi32>
      %convert_element_type3A_367 = arith.sitofp %convert_element_type3A_366 : vector<512xi32> to vector<512xf32>
      %convert_element_type3A_368 = arith.truncf %convert_element_type3A_367 : vector<512xf32> to vector<512xbf16>
      %broadcast_in_dim3A_369 = vector.shape_cast %convert_element_type3A_368 : vector<512xbf16> to vector<512x1xbf16>
      %mul3A_370 = vector.broadcast %broadcast_in_dim3A_369 : vector<512x1xbf16> to vector<512x128xbf16>
      %mul3A_371 = arith.mulf %convert_element_type3A, %mul3A_370 : vector<512x128xbf16>
      %add3A_372 = arith.constant 12 : i32
      %add3A_373 = arith.addi %min3A_67, %add3A_372 : i32
      %get3A_374 = arith.index_cast %add3A_373 : i32 to index
      %get3A_375 = memref.load %arg1[%get3A_374] : memref<256xi32, #tpu.memory_space<smem>>
      %add3A_376 = arith.constant 12 : i32
      %add3A_377 = arith.addi %min3A_67, %add3A_376 : i32
      %add3A_378 = arith.constant 1 : i32
      %add3A_379 = arith.addi %add3A_377, %add3A_378 : i32
      %get3A_380 = arith.index_cast %add3A_379 : i32 to index
      %get3A_381 = memref.load %arg1[%get3A_380] : memref<256xi32, #tpu.memory_space<smem>>
      %ge3A_382 = vector.broadcast %get3A_375 : i32 to vector<512xi32>
      %ge3A_383 = arith.cmpi sge, %add3A_10, %ge3A_382 : vector<512xi32>
      %lt3A_384 = vector.broadcast %get3A_381 : i32 to vector<512xi32>
      %lt3A_385 = arith.cmpi slt, %add3A_10, %lt3A_384 : vector<512xi32>
      %and3A_386 = arith.andi %ge3A_383, %lt3A_385 : vector<512xi1>
      %le3A_387 = arith.constant 12 : i32
      %le3A_388 = arith.cmpi sle, %sub3A_68, %le3A_387 : i32
      %and3A_389 = vector.broadcast %le3A_388 : i1 to vector<512xi1>
      %and3A_390 = arith.andi %and3A_386, %and3A_389 : vector<512xi1>
      %convert_element_type3A_391 = arith.extui %and3A_390 : vector<512xi1> to vector<512xi32>
      %convert_element_type3A_392 = arith.sitofp %convert_element_type3A_391 : vector<512xi32> to vector<512xf32>
      %convert_element_type3A_393 = arith.truncf %convert_element_type3A_392 : vector<512xf32> to vector<512xbf16>
      %broadcast_in_dim3A_394 = vector.shape_cast %convert_element_type3A_393 : vector<512xbf16> to vector<512x1xbf16>
      %mul3A_395 = vector.broadcast %broadcast_in_dim3A_394 : vector<512x1xbf16> to vector<512x128xbf16>
      %mul3A_396 = arith.mulf %convert_element_type3A, %mul3A_395 : vector<512x128xbf16>
      %add3A_397 = arith.constant 13 : i32
      %add3A_398 = arith.addi %min3A_67, %add3A_397 : i32
      %get3A_399 = arith.index_cast %add3A_398 : i32 to index
      %get3A_400 = memref.load %arg1[%get3A_399] : memref<256xi32, #tpu.memory_space<smem>>
      %add3A_401 = arith.constant 13 : i32
      %add3A_402 = arith.addi %min3A_67, %add3A_401 : i32
      %add3A_403 = arith.constant 1 : i32
      %add3A_404 = arith.addi %add3A_402, %add3A_403 : i32
      %get3A_405 = arith.index_cast %add3A_404 : i32 to index
      %get3A_406 = memref.load %arg1[%get3A_405] : memref<256xi32, #tpu.memory_space<smem>>
      %ge3A_407 = vector.broadcast %get3A_400 : i32 to vector<512xi32>
      %ge3A_408 = arith.cmpi sge, %add3A_10, %ge3A_407 : vector<512xi32>
      %lt3A_409 = vector.broadcast %get3A_406 : i32 to vector<512xi32>
      %lt3A_410 = arith.cmpi slt, %add3A_10, %lt3A_409 : vector<512xi32>
      %and3A_411 = arith.andi %ge3A_408, %lt3A_410 : vector<512xi1>
      %le3A_412 = arith.constant 13 : i32
      %le3A_413 = arith.cmpi sle, %sub3A_68, %le3A_412 : i32
      %and3A_414 = vector.broadcast %le3A_413 : i1 to vector<512xi1>
      %and3A_415 = arith.andi %and3A_411, %and3A_414 : vector<512xi1>
      %convert_element_type3A_416 = arith.extui %and3A_415 : vector<512xi1> to vector<512xi32>
      %convert_element_type3A_417 = arith.sitofp %convert_element_type3A_416 : vector<512xi32> to vector<512xf32>
      %convert_element_type3A_418 = arith.truncf %convert_element_type3A_417 : vector<512xf32> to vector<512xbf16>
      %broadcast_in_dim3A_419 = vector.shape_cast %convert_element_type3A_418 : vector<512xbf16> to vector<512x1xbf16>
      %mul3A_420 = vector.broadcast %broadcast_in_dim3A_419 : vector<512x1xbf16> to vector<512x128xbf16>
      %mul3A_421 = arith.mulf %convert_element_type3A, %mul3A_420 : vector<512x128xbf16>
      %add3A_422 = arith.constant 14 : i32
      %add3A_423 = arith.addi %min3A_67, %add3A_422 : i32
      %get3A_424 = arith.index_cast %add3A_423 : i32 to index
      %get3A_425 = memref.load %arg1[%get3A_424] : memref<256xi32, #tpu.memory_space<smem>>
      %add3A_426 = arith.constant 14 : i32
      %add3A_427 = arith.addi %min3A_67, %add3A_426 : i32
      %add3A_428 = arith.constant 1 : i32
      %add3A_429 = arith.addi %add3A_427, %add3A_428 : i32
      %get3A_430 = arith.index_cast %add3A_429 : i32 to index
      %get3A_431 = memref.load %arg1[%get3A_430] : memref<256xi32, #tpu.memory_space<smem>>
      %ge3A_432 = vector.broadcast %get3A_425 : i32 to vector<512xi32>
      %ge3A_433 = arith.cmpi sge, %add3A_10, %ge3A_432 : vector<512xi32>
      %lt3A_434 = vector.broadcast %get3A_431 : i32 to vector<512xi32>
      %lt3A_435 = arith.cmpi slt, %add3A_10, %lt3A_434 : vector<512xi32>
      %and3A_436 = arith.andi %ge3A_433, %lt3A_435 : vector<512xi1>
      %le3A_437 = arith.constant 14 : i32
      %le3A_438 = arith.cmpi sle, %sub3A_68, %le3A_437 : i32
      %and3A_439 = vector.broadcast %le3A_438 : i1 to vector<512xi1>
      %and3A_440 = arith.andi %and3A_436, %and3A_439 : vector<512xi1>
      %convert_element_type3A_441 = arith.extui %and3A_440 : vector<512xi1> to vector<512xi32>
      %convert_element_type3A_442 = arith.sitofp %convert_element_type3A_441 : vector<512xi32> to vector<512xf32>
      %convert_element_type3A_443 = arith.truncf %convert_element_type3A_442 : vector<512xf32> to vector<512xbf16>
      %broadcast_in_dim3A_444 = vector.shape_cast %convert_element_type3A_443 : vector<512xbf16> to vector<512x1xbf16>
      %mul3A_445 = vector.broadcast %broadcast_in_dim3A_444 : vector<512x1xbf16> to vector<512x128xbf16>
      %mul3A_446 = arith.mulf %convert_element_type3A, %mul3A_445 : vector<512x128xbf16>
      %add3A_447 = arith.constant 15 : i32
      %add3A_448 = arith.addi %min3A_67, %add3A_447 : i32
      %get3A_449 = arith.index_cast %add3A_448 : i32 to index
      %get3A_450 = memref.load %arg1[%get3A_449] : memref<256xi32, #tpu.memory_space<smem>>
      %add3A_451 = arith.constant 15 : i32
      %add3A_452 = arith.addi %min3A_67, %add3A_451 : i32
      %add3A_453 = arith.constant 1 : i32
      %add3A_454 = arith.addi %add3A_452, %add3A_453 : i32
      %get3A_455 = arith.index_cast %add3A_454 : i32 to index
      %get3A_456 = memref.load %arg1[%get3A_455] : memref<256xi32, #tpu.memory_space<smem>>
      %ge3A_457 = vector.broadcast %get3A_450 : i32 to vector<512xi32>
      %ge3A_458 = arith.cmpi sge, %add3A_10, %ge3A_457 : vector<512xi32>
      %lt3A_459 = vector.broadcast %get3A_456 : i32 to vector<512xi32>
      %lt3A_460 = arith.cmpi slt, %add3A_10, %lt3A_459 : vector<512xi32>
      %and3A_461 = arith.andi %ge3A_458, %lt3A_460 : vector<512xi1>
      %le3A_462 = arith.constant 15 : i32
      %le3A_463 = arith.cmpi sle, %sub3A_68, %le3A_462 : i32
      %and3A_464 = vector.broadcast %le3A_463 : i1 to vector<512xi1>
      %and3A_465 = arith.andi %and3A_461, %and3A_464 : vector<512xi1>
      %convert_element_type3A_466 = arith.extui %and3A_465 : vector<512xi1> to vector<512xi32>
      %convert_element_type3A_467 = arith.sitofp %convert_element_type3A_466 : vector<512xi32> to vector<512xf32>
      %convert_element_type3A_468 = arith.truncf %convert_element_type3A_467 : vector<512xf32> to vector<512xbf16>
      %broadcast_in_dim3A_469 = vector.shape_cast %convert_element_type3A_468 : vector<512xbf16> to vector<512x1xbf16>
      %mul3A_470 = vector.broadcast %broadcast_in_dim3A_469 : vector<512x1xbf16> to vector<512x128xbf16>
      %mul3A_471 = arith.mulf %convert_element_type3A, %mul3A_470 : vector<512x128xbf16>
      %concatenate3A = tpu.concatenate %mul3A_96, %mul3A_121, %mul3A_146, %mul3A_171, %mul3A_196, %mul3A_221, %mul3A_246, %mul3A_271, %mul3A_296, %mul3A_321, %mul3A_346, %mul3A_371, %mul3A_396, %mul3A_421, %mul3A_446, %mul3A_471 in 1 : vector<512x128xbf16>, vector<512x128xbf16>, vector<512x128xbf16>, vector<512x128xbf16>, vector<512x128xbf16>, vector<512x128xbf16>, vector<512x128xbf16>, vector<512x128xbf16>, vector<512x128xbf16>, vector<512x128xbf16>, vector<512x128xbf16>, vector<512x128xbf16>, vector<512x128xbf16>, vector<512x128xbf16>, vector<512x128xbf16>, vector<512x128xbf16> -> vector<512x2048xbf16>
      %dot_general3A_472 = arith.constant dense<0.000000e+00> : vector<512x128xf32>
      %dot_general3A_473 = tpu.matmul %concatenate3A, %convert_element_type3A_73, %dot_general3A_472 {dimension_numbers = #tpu.dot_dimension_numbers<[1], [0], [0], [1], [0, 0, 1, 1], [], []>, transpose_lhs_hint = false} : vector<512x2048xbf16>, vector<2048x128xbf16>, vector<512x128xf32> -> vector<512x128xf32>
      %add3A_474 = arith.addf %while3A_63, %dot_general3A_473 : vector<512x128xf32>
      scf.yield %add3A_474 : vector<512x128xf32>
    }
    %while3A_58 = arith.constant 1 : i32
    %while3A_59 = scf.for %while3A_62 = %while3A_55 to %while3A_51 step %while3A_58 iter_args(%while3A_63 = %while3A_57) -> (vector<512x128xf32>)  : i32 {
      %mul3A_64 = arith.constant 16 : i32
      %mul3A_65 = arith.muli %while3A_62, %mul3A_64 : i32
      %add3A_66 = arith.addi %get3A_1, %mul3A_65 : i32
      %min3A = arith.constant 153 : i32
      %min3A_67 = arith.minsi %add3A_66, %min3A : i32
      %sub3A_68 = arith.subi %add3A_66, %min3A_67 : i32
      %get3A_69 = arith.index_cast %min3A_67 : i32 to index
      %get3A_70 = arith.constant 0 : index
      %get3A_71 = arith.constant 0 : index
      %get3A_72 = vector.load %arg5[%get3A_69, %get3A_70, %get3A_71] : memref<169x128x128xf32, #tpu.memory_space<vmem>>, vector<16x128x128xf32>
      %reshape3A = vector.shape_cast %get3A_72 : vector<16x128x128xf32> to vector<2048x128xf32>
      %convert_element_type3A_73 = arith.truncf %reshape3A : vector<2048x128xf32> to vector<2048x128xbf16>
      %add3A_74 = arith.constant 0 : i32
      %add3A_75 = arith.addi %min3A_67, %add3A_74 : i32
      %get3A_76 = arith.index_cast %add3A_75 : i32 to index
      %get3A_77 = memref.load %arg1[%get3A_76] : memref<256xi32, #tpu.memory_space<smem>>
      %add3A_78 = arith.constant 0 : i32
      %add3A_79 = arith.addi %min3A_67, %add3A_78 : i32
      %add3A_80 = arith.constant 1 : i32
      %add3A_81 = arith.addi %add3A_79, %add3A_80 : i32
      %get3A_82 = arith.index_cast %add3A_81 : i32 to index
      %get3A_83 = memref.load %arg1[%get3A_82] : memref<256xi32, #tpu.memory_space<smem>>
      %ge3A = vector.broadcast %get3A_77 : i32 to vector<512xi32>
      %ge3A_84 = arith.cmpi sge, %add3A_10, %ge3A : vector<512xi32>
      %lt3A = vector.broadcast %get3A_83 : i32 to vector<512xi32>
      %lt3A_85 = arith.cmpi slt, %add3A_10, %lt3A : vector<512xi32>
      %and3A_86 = arith.andi %ge3A_84, %lt3A_85 : vector<512xi1>
      %le3A_87 = arith.constant 0 : i32
      %le3A_88 = arith.cmpi sle, %sub3A_68, %le3A_87 : i32
      %and3A_89 = vector.broadcast %le3A_88 : i1 to vector<512xi1>
      %and3A_90 = arith.andi %and3A_86, %and3A_89 : vector<512xi1>
      %convert_element_type3A_91 = arith.extui %and3A_90 : vector<512xi1> to vector<512xi32>
      %convert_element_type3A_92 = arith.sitofp %convert_element_type3A_91 : vector<512xi32> to vector<512xf32>
      %convert_element_type3A_93 = arith.truncf %convert_element_type3A_92 : vector<512xf32> to vector<512xbf16>
      %broadcast_in_dim3A_94 = vector.shape_cast %convert_element_type3A_93 : vector<512xbf16> to vector<512x1xbf16>
      %mul3A_95 = vector.broadcast %broadcast_in_dim3A_94 : vector<512x1xbf16> to vector<512x128xbf16>
      %mul3A_96 = arith.mulf %convert_element_type3A, %mul3A_95 : vector<512x128xbf16>
      %add3A_97 = arith.constant 1 : i32
      %add3A_98 = arith.addi %min3A_67, %add3A_97 : i32
      %get3A_99 = arith.index_cast %add3A_98 : i32 to index
      %get3A_100 = memref.load %arg1[%get3A_99] : memref<256xi32, #tpu.memory_space<smem>>
      %add3A_101 = arith.constant 1 : i32
      %add3A_102 = arith.addi %min3A_67, %add3A_101 : i32
      %add3A_103 = arith.constant 1 : i32
      %add3A_104 = arith.addi %add3A_102, %add3A_103 : i32
      %get3A_105 = arith.index_cast %add3A_104 : i32 to index
      %get3A_106 = memref.load %arg1[%get3A_105] : memref<256xi32, #tpu.memory_space<smem>>
      %ge3A_107 = vector.broadcast %get3A_100 : i32 to vector<512xi32>
      %ge3A_108 = arith.cmpi sge, %add3A_10, %ge3A_107 : vector<512xi32>
      %lt3A_109 = vector.broadcast %get3A_106 : i32 to vector<512xi32>
      %lt3A_110 = arith.cmpi slt, %add3A_10, %lt3A_109 : vector<512xi32>
      %and3A_111 = arith.andi %ge3A_108, %lt3A_110 : vector<512xi1>
      %le3A_112 = arith.constant 1 : i32
      %le3A_113 = arith.cmpi sle, %sub3A_68, %le3A_112 : i32
      %and3A_114 = vector.broadcast %le3A_113 : i1 to vector<512xi1>
      %and3A_115 = arith.andi %and3A_111, %and3A_114 : vector<512xi1>
      %convert_element_type3A_116 = arith.extui %and3A_115 : vector<512xi1> to vector<512xi32>
      %convert_element_type3A_117 = arith.sitofp %convert_element_type3A_116 : vector<512xi32> to vector<512xf32>
      %convert_element_type3A_118 = arith.truncf %convert_element_type3A_117 : vector<512xf32> to vector<512xbf16>
      %broadcast_in_dim3A_119 = vector.shape_cast %convert_element_type3A_118 : vector<512xbf16> to vector<512x1xbf16>
      %mul3A_120 = vector.broadcast %broadcast_in_dim3A_119 : vector<512x1xbf16> to vector<512x128xbf16>
      %mul3A_121 = arith.mulf %convert_element_type3A, %mul3A_120 : vector<512x128xbf16>
      %add3A_122 = arith.constant 2 : i32
      %add3A_123 = arith.addi %min3A_67, %add3A_122 : i32
      %get3A_124 = arith.index_cast %add3A_123 : i32 to index
      %get3A_125 = memref.load %arg1[%get3A_124] : memref<256xi32, #tpu.memory_space<smem>>
      %add3A_126 = arith.constant 2 : i32
      %add3A_127 = arith.addi %min3A_67, %add3A_126 : i32
      %add3A_128 = arith.constant 1 : i32
      %add3A_129 = arith.addi %add3A_127, %add3A_128 : i32
      %get3A_130 = arith.index_cast %add3A_129 : i32 to index
      %get3A_131 = memref.load %arg1[%get3A_130] : memref<256xi32, #tpu.memory_space<smem>>
      %ge3A_132 = vector.broadcast %get3A_125 : i32 to vector<512xi32>
      %ge3A_133 = arith.cmpi sge, %add3A_10, %ge3A_132 : vector<512xi32>
      %lt3A_134 = vector.broadcast %get3A_131 : i32 to vector<512xi32>
      %lt3A_135 = arith.cmpi slt, %add3A_10, %lt3A_134 : vector<512xi32>
      %and3A_136 = arith.andi %ge3A_133, %lt3A_135 : vector<512xi1>
      %le3A_137 = arith.constant 2 : i32
      %le3A_138 = arith.cmpi sle, %sub3A_68, %le3A_137 : i32
      %and3A_139 = vector.broadcast %le3A_138 : i1 to vector<512xi1>
      %and3A_140 = arith.andi %and3A_136, %and3A_139 : vector<512xi1>
      %convert_element_type3A_141 = arith.extui %and3A_140 : vector<512xi1> to vector<512xi32>
      %convert_element_type3A_142 = arith.sitofp %convert_element_type3A_141 : vector<512xi32> to vector<512xf32>
      %convert_element_type3A_143 = arith.truncf %convert_element_type3A_142 : vector<512xf32> to vector<512xbf16>
      %broadcast_in_dim3A_144 = vector.shape_cast %convert_element_type3A_143 : vector<512xbf16> to vector<512x1xbf16>
      %mul3A_145 = vector.broadcast %broadcast_in_dim3A_144 : vector<512x1xbf16> to vector<512x128xbf16>
      %mul3A_146 = arith.mulf %convert_element_type3A, %mul3A_145 : vector<512x128xbf16>
      %add3A_147 = arith.constant 3 : i32
      %add3A_148 = arith.addi %min3A_67, %add3A_147 : i32
      %get3A_149 = arith.index_cast %add3A_148 : i32 to index
      %get3A_150 = memref.load %arg1[%get3A_149] : memref<256xi32, #tpu.memory_space<smem>>
      %add3A_151 = arith.constant 3 : i32
      %add3A_152 = arith.addi %min3A_67, %add3A_151 : i32
      %add3A_153 = arith.constant 1 : i32
      %add3A_154 = arith.addi %add3A_152, %add3A_153 : i32
      %get3A_155 = arith.index_cast %add3A_154 : i32 to index
      %get3A_156 = memref.load %arg1[%get3A_155] : memref<256xi32, #tpu.memory_space<smem>>
      %ge3A_157 = vector.broadcast %get3A_150 : i32 to vector<512xi32>
      %ge3A_158 = arith.cmpi sge, %add3A_10, %ge3A_157 : vector<512xi32>
      %lt3A_159 = vector.broadcast %get3A_156 : i32 to vector<512xi32>
      %lt3A_160 = arith.cmpi slt, %add3A_10, %lt3A_159 : vector<512xi32>
      %and3A_161 = arith.andi %ge3A_158, %lt3A_160 : vector<512xi1>
      %le3A_162 = arith.constant 3 : i32
      %le3A_163 = arith.cmpi sle, %sub3A_68, %le3A_162 : i32
      %and3A_164 = vector.broadcast %le3A_163 : i1 to vector<512xi1>
      %and3A_165 = arith.andi %and3A_161, %and3A_164 : vector<512xi1>
      %convert_element_type3A_166 = arith.extui %and3A_165 : vector<512xi1> to vector<512xi32>
      %convert_element_type3A_167 = arith.sitofp %convert_element_type3A_166 : vector<512xi32> to vector<512xf32>
      %convert_element_type3A_168 = arith.truncf %convert_element_type3A_167 : vector<512xf32> to vector<512xbf16>
      %broadcast_in_dim3A_169 = vector.shape_cast %convert_element_type3A_168 : vector<512xbf16> to vector<512x1xbf16>
      %mul3A_170 = vector.broadcast %broadcast_in_dim3A_169 : vector<512x1xbf16> to vector<512x128xbf16>
      %mul3A_171 = arith.mulf %convert_element_type3A, %mul3A_170 : vector<512x128xbf16>
      %add3A_172 = arith.constant 4 : i32
      %add3A_173 = arith.addi %min3A_67, %add3A_172 : i32
      %get3A_174 = arith.index_cast %add3A_173 : i32 to index
      %get3A_175 = memref.load %arg1[%get3A_174] : memref<256xi32, #tpu.memory_space<smem>>
      %add3A_176 = arith.constant 4 : i32
      %add3A_177 = arith.addi %min3A_67, %add3A_176 : i32
      %add3A_178 = arith.constant 1 : i32
      %add3A_179 = arith.addi %add3A_177, %add3A_178 : i32
      %get3A_180 = arith.index_cast %add3A_179 : i32 to index
      %get3A_181 = memref.load %arg1[%get3A_180] : memref<256xi32, #tpu.memory_space<smem>>
      %ge3A_182 = vector.broadcast %get3A_175 : i32 to vector<512xi32>
      %ge3A_183 = arith.cmpi sge, %add3A_10, %ge3A_182 : vector<512xi32>
      %lt3A_184 = vector.broadcast %get3A_181 : i32 to vector<512xi32>
      %lt3A_185 = arith.cmpi slt, %add3A_10, %lt3A_184 : vector<512xi32>
      %and3A_186 = arith.andi %ge3A_183, %lt3A_185 : vector<512xi1>
      %le3A_187 = arith.constant 4 : i32
      %le3A_188 = arith.cmpi sle, %sub3A_68, %le3A_187 : i32
      %and3A_189 = vector.broadcast %le3A_188 : i1 to vector<512xi1>
      %and3A_190 = arith.andi %and3A_186, %and3A_189 : vector<512xi1>
      %convert_element_type3A_191 = arith.extui %and3A_190 : vector<512xi1> to vector<512xi32>
      %convert_element_type3A_192 = arith.sitofp %convert_element_type3A_191 : vector<512xi32> to vector<512xf32>
      %convert_element_type3A_193 = arith.truncf %convert_element_type3A_192 : vector<512xf32> to vector<512xbf16>
      %broadcast_in_dim3A_194 = vector.shape_cast %convert_element_type3A_193 : vector<512xbf16> to vector<512x1xbf16>
      %mul3A_195 = vector.broadcast %broadcast_in_dim3A_194 : vector<512x1xbf16> to vector<512x128xbf16>
      %mul3A_196 = arith.mulf %convert_element_type3A, %mul3A_195 : vector<512x128xbf16>
      %add3A_197 = arith.constant 5 : i32
      %add3A_198 = arith.addi %min3A_67, %add3A_197 : i32
      %get3A_199 = arith.index_cast %add3A_198 : i32 to index
      %get3A_200 = memref.load %arg1[%get3A_199] : memref<256xi32, #tpu.memory_space<smem>>
      %add3A_201 = arith.constant 5 : i32
      %add3A_202 = arith.addi %min3A_67, %add3A_201 : i32
      %add3A_203 = arith.constant 1 : i32
      %add3A_204 = arith.addi %add3A_202, %add3A_203 : i32
      %get3A_205 = arith.index_cast %add3A_204 : i32 to index
      %get3A_206 = memref.load %arg1[%get3A_205] : memref<256xi32, #tpu.memory_space<smem>>
      %ge3A_207 = vector.broadcast %get3A_200 : i32 to vector<512xi32>
      %ge3A_208 = arith.cmpi sge, %add3A_10, %ge3A_207 : vector<512xi32>
      %lt3A_209 = vector.broadcast %get3A_206 : i32 to vector<512xi32>
      %lt3A_210 = arith.cmpi slt, %add3A_10, %lt3A_209 : vector<512xi32>
      %and3A_211 = arith.andi %ge3A_208, %lt3A_210 : vector<512xi1>
      %le3A_212 = arith.constant 5 : i32
      %le3A_213 = arith.cmpi sle, %sub3A_68, %le3A_212 : i32
      %and3A_214 = vector.broadcast %le3A_213 : i1 to vector<512xi1>
      %and3A_215 = arith.andi %and3A_211, %and3A_214 : vector<512xi1>
      %convert_element_type3A_216 = arith.extui %and3A_215 : vector<512xi1> to vector<512xi32>
      %convert_element_type3A_217 = arith.sitofp %convert_element_type3A_216 : vector<512xi32> to vector<512xf32>
      %convert_element_type3A_218 = arith.truncf %convert_element_type3A_217 : vector<512xf32> to vector<512xbf16>
      %broadcast_in_dim3A_219 = vector.shape_cast %convert_element_type3A_218 : vector<512xbf16> to vector<512x1xbf16>
      %mul3A_220 = vector.broadcast %broadcast_in_dim3A_219 : vector<512x1xbf16> to vector<512x128xbf16>
      %mul3A_221 = arith.mulf %convert_element_type3A, %mul3A_220 : vector<512x128xbf16>
      %add3A_222 = arith.constant 6 : i32
      %add3A_223 = arith.addi %min3A_67, %add3A_222 : i32
      %get3A_224 = arith.index_cast %add3A_223 : i32 to index
      %get3A_225 = memref.load %arg1[%get3A_224] : memref<256xi32, #tpu.memory_space<smem>>
      %add3A_226 = arith.constant 6 : i32
      %add3A_227 = arith.addi %min3A_67, %add3A_226 : i32
      %add3A_228 = arith.constant 1 : i32
      %add3A_229 = arith.addi %add3A_227, %add3A_228 : i32
      %get3A_230 = arith.index_cast %add3A_229 : i32 to index
      %get3A_231 = memref.load %arg1[%get3A_230] : memref<256xi32, #tpu.memory_space<smem>>
      %ge3A_232 = vector.broadcast %get3A_225 : i32 to vector<512xi32>
      %ge3A_233 = arith.cmpi sge, %add3A_10, %ge3A_232 : vector<512xi32>
      %lt3A_234 = vector.broadcast %get3A_231 : i32 to vector<512xi32>
      %lt3A_235 = arith.cmpi slt, %add3A_10, %lt3A_234 : vector<512xi32>
      %and3A_236 = arith.andi %ge3A_233, %lt3A_235 : vector<512xi1>
      %le3A_237 = arith.constant 6 : i32
      %le3A_238 = arith.cmpi sle, %sub3A_68, %le3A_237 : i32
      %and3A_239 = vector.broadcast %le3A_238 : i1 to vector<512xi1>
      %and3A_240 = arith.andi %and3A_236, %and3A_239 : vector<512xi1>
      %convert_element_type3A_241 = arith.extui %and3A_240 : vector<512xi1> to vector<512xi32>
      %convert_element_type3A_242 = arith.sitofp %convert_element_type3A_241 : vector<512xi32> to vector<512xf32>
      %convert_element_type3A_243 = arith.truncf %convert_element_type3A_242 : vector<512xf32> to vector<512xbf16>
      %broadcast_in_dim3A_244 = vector.shape_cast %convert_element_type3A_243 : vector<512xbf16> to vector<512x1xbf16>
      %mul3A_245 = vector.broadcast %broadcast_in_dim3A_244 : vector<512x1xbf16> to vector<512x128xbf16>
      %mul3A_246 = arith.mulf %convert_element_type3A, %mul3A_245 : vector<512x128xbf16>
      %add3A_247 = arith.constant 7 : i32
      %add3A_248 = arith.addi %min3A_67, %add3A_247 : i32
      %get3A_249 = arith.index_cast %add3A_248 : i32 to index
      %get3A_250 = memref.load %arg1[%get3A_249] : memref<256xi32, #tpu.memory_space<smem>>
      %add3A_251 = arith.constant 7 : i32
      %add3A_252 = arith.addi %min3A_67, %add3A_251 : i32
      %add3A_253 = arith.constant 1 : i32
      %add3A_254 = arith.addi %add3A_252, %add3A_253 : i32
      %get3A_255 = arith.index_cast %add3A_254 : i32 to index
      %get3A_256 = memref.load %arg1[%get3A_255] : memref<256xi32, #tpu.memory_space<smem>>
      %ge3A_257 = vector.broadcast %get3A_250 : i32 to vector<512xi32>
      %ge3A_258 = arith.cmpi sge, %add3A_10, %ge3A_257 : vector<512xi32>
      %lt3A_259 = vector.broadcast %get3A_256 : i32 to vector<512xi32>
      %lt3A_260 = arith.cmpi slt, %add3A_10, %lt3A_259 : vector<512xi32>
      %and3A_261 = arith.andi %ge3A_258, %lt3A_260 : vector<512xi1>
      %le3A_262 = arith.constant 7 : i32
      %le3A_263 = arith.cmpi sle, %sub3A_68, %le3A_262 : i32
      %and3A_264 = vector.broadcast %le3A_263 : i1 to vector<512xi1>
      %and3A_265 = arith.andi %and3A_261, %and3A_264 : vector<512xi1>
      %convert_element_type3A_266 = arith.extui %and3A_265 : vector<512xi1> to vector<512xi32>
      %convert_element_type3A_267 = arith.sitofp %convert_element_type3A_266 : vector<512xi32> to vector<512xf32>
      %convert_element_type3A_268 = arith.truncf %convert_element_type3A_267 : vector<512xf32> to vector<512xbf16>
      %broadcast_in_dim3A_269 = vector.shape_cast %convert_element_type3A_268 : vector<512xbf16> to vector<512x1xbf16>
      %mul3A_270 = vector.broadcast %broadcast_in_dim3A_269 : vector<512x1xbf16> to vector<512x128xbf16>
      %mul3A_271 = arith.mulf %convert_element_type3A, %mul3A_270 : vector<512x128xbf16>
      %add3A_272 = arith.constant 8 : i32
      %add3A_273 = arith.addi %min3A_67, %add3A_272 : i32
      %get3A_274 = arith.index_cast %add3A_273 : i32 to index
      %get3A_275 = memref.load %arg1[%get3A_274] : memref<256xi32, #tpu.memory_space<smem>>
      %add3A_276 = arith.constant 8 : i32
      %add3A_277 = arith.addi %min3A_67, %add3A_276 : i32
      %add3A_278 = arith.constant 1 : i32
      %add3A_279 = arith.addi %add3A_277, %add3A_278 : i32
      %get3A_280 = arith.index_cast %add3A_279 : i32 to index
      %get3A_281 = memref.load %arg1[%get3A_280] : memref<256xi32, #tpu.memory_space<smem>>
      %ge3A_282 = vector.broadcast %get3A_275 : i32 to vector<512xi32>
      %ge3A_283 = arith.cmpi sge, %add3A_10, %ge3A_282 : vector<512xi32>
      %lt3A_284 = vector.broadcast %get3A_281 : i32 to vector<512xi32>
      %lt3A_285 = arith.cmpi slt, %add3A_10, %lt3A_284 : vector<512xi32>
      %and3A_286 = arith.andi %ge3A_283, %lt3A_285 : vector<512xi1>
      %le3A_287 = arith.constant 8 : i32
      %le3A_288 = arith.cmpi sle, %sub3A_68, %le3A_287 : i32
      %and3A_289 = vector.broadcast %le3A_288 : i1 to vector<512xi1>
      %and3A_290 = arith.andi %and3A_286, %and3A_289 : vector<512xi1>
      %convert_element_type3A_291 = arith.extui %and3A_290 : vector<512xi1> to vector<512xi32>
      %convert_element_type3A_292 = arith.sitofp %convert_element_type3A_291 : vector<512xi32> to vector<512xf32>
      %convert_element_type3A_293 = arith.truncf %convert_element_type3A_292 : vector<512xf32> to vector<512xbf16>
      %broadcast_in_dim3A_294 = vector.shape_cast %convert_element_type3A_293 : vector<512xbf16> to vector<512x1xbf16>
      %mul3A_295 = vector.broadcast %broadcast_in_dim3A_294 : vector<512x1xbf16> to vector<512x128xbf16>
      %mul3A_296 = arith.mulf %convert_element_type3A, %mul3A_295 : vector<512x128xbf16>
      %add3A_297 = arith.constant 9 : i32
      %add3A_298 = arith.addi %min3A_67, %add3A_297 : i32
      %get3A_299 = arith.index_cast %add3A_298 : i32 to index
      %get3A_300 = memref.load %arg1[%get3A_299] : memref<256xi32, #tpu.memory_space<smem>>
      %add3A_301 = arith.constant 9 : i32
      %add3A_302 = arith.addi %min3A_67, %add3A_301 : i32
      %add3A_303 = arith.constant 1 : i32
      %add3A_304 = arith.addi %add3A_302, %add3A_303 : i32
      %get3A_305 = arith.index_cast %add3A_304 : i32 to index
      %get3A_306 = memref.load %arg1[%get3A_305] : memref<256xi32, #tpu.memory_space<smem>>
      %ge3A_307 = vector.broadcast %get3A_300 : i32 to vector<512xi32>
      %ge3A_308 = arith.cmpi sge, %add3A_10, %ge3A_307 : vector<512xi32>
      %lt3A_309 = vector.broadcast %get3A_306 : i32 to vector<512xi32>
      %lt3A_310 = arith.cmpi slt, %add3A_10, %lt3A_309 : vector<512xi32>
      %and3A_311 = arith.andi %ge3A_308, %lt3A_310 : vector<512xi1>
      %le3A_312 = arith.constant 9 : i32
      %le3A_313 = arith.cmpi sle, %sub3A_68, %le3A_312 : i32
      %and3A_314 = vector.broadcast %le3A_313 : i1 to vector<512xi1>
      %and3A_315 = arith.andi %and3A_311, %and3A_314 : vector<512xi1>
      %convert_element_type3A_316 = arith.extui %and3A_315 : vector<512xi1> to vector<512xi32>
      %convert_element_type3A_317 = arith.sitofp %convert_element_type3A_316 : vector<512xi32> to vector<512xf32>
      %convert_element_type3A_318 = arith.truncf %convert_element_type3A_317 : vector<512xf32> to vector<512xbf16>
      %broadcast_in_dim3A_319 = vector.shape_cast %convert_element_type3A_318 : vector<512xbf16> to vector<512x1xbf16>
      %mul3A_320 = vector.broadcast %broadcast_in_dim3A_319 : vector<512x1xbf16> to vector<512x128xbf16>
      %mul3A_321 = arith.mulf %convert_element_type3A, %mul3A_320 : vector<512x128xbf16>
      %add3A_322 = arith.constant 10 : i32
      %add3A_323 = arith.addi %min3A_67, %add3A_322 : i32
      %get3A_324 = arith.index_cast %add3A_323 : i32 to index
      %get3A_325 = memref.load %arg1[%get3A_324] : memref<256xi32, #tpu.memory_space<smem>>
      %add3A_326 = arith.constant 10 : i32
      %add3A_327 = arith.addi %min3A_67, %add3A_326 : i32
      %add3A_328 = arith.constant 1 : i32
      %add3A_329 = arith.addi %add3A_327, %add3A_328 : i32
      %get3A_330 = arith.index_cast %add3A_329 : i32 to index
      %get3A_331 = memref.load %arg1[%get3A_330] : memref<256xi32, #tpu.memory_space<smem>>
      %ge3A_332 = vector.broadcast %get3A_325 : i32 to vector<512xi32>
      %ge3A_333 = arith.cmpi sge, %add3A_10, %ge3A_332 : vector<512xi32>
      %lt3A_334 = vector.broadcast %get3A_331 : i32 to vector<512xi32>
      %lt3A_335 = arith.cmpi slt, %add3A_10, %lt3A_334 : vector<512xi32>
      %and3A_336 = arith.andi %ge3A_333, %lt3A_335 : vector<512xi1>
      %le3A_337 = arith.constant 10 : i32
      %le3A_338 = arith.cmpi sle, %sub3A_68, %le3A_337 : i32
      %and3A_339 = vector.broadcast %le3A_338 : i1 to vector<512xi1>
      %and3A_340 = arith.andi %and3A_336, %and3A_339 : vector<512xi1>
      %convert_element_type3A_341 = arith.extui %and3A_340 : vector<512xi1> to vector<512xi32>
      %convert_element_type3A_342 = arith.sitofp %convert_element_type3A_341 : vector<512xi32> to vector<512xf32>
      %convert_element_type3A_343 = arith.truncf %convert_element_type3A_342 : vector<512xf32> to vector<512xbf16>
      %broadcast_in_dim3A_344 = vector.shape_cast %convert_element_type3A_343 : vector<512xbf16> to vector<512x1xbf16>
      %mul3A_345 = vector.broadcast %broadcast_in_dim3A_344 : vector<512x1xbf16> to vector<512x128xbf16>
      %mul3A_346 = arith.mulf %convert_element_type3A, %mul3A_345 : vector<512x128xbf16>
      %add3A_347 = arith.constant 11 : i32
      %add3A_348 = arith.addi %min3A_67, %add3A_347 : i32
      %get3A_349 = arith.index_cast %add3A_348 : i32 to index
      %get3A_350 = memref.load %arg1[%get3A_349] : memref<256xi32, #tpu.memory_space<smem>>
      %add3A_351 = arith.constant 11 : i32
      %add3A_352 = arith.addi %min3A_67, %add3A_351 : i32
      %add3A_353 = arith.constant 1 : i32
      %add3A_354 = arith.addi %add3A_352, %add3A_353 : i32
      %get3A_355 = arith.index_cast %add3A_354 : i32 to index
      %get3A_356 = memref.load %arg1[%get3A_355] : memref<256xi32, #tpu.memory_space<smem>>
      %ge3A_357 = vector.broadcast %get3A_350 : i32 to vector<512xi32>
      %ge3A_358 = arith.cmpi sge, %add3A_10, %ge3A_357 : vector<512xi32>
      %lt3A_359 = vector.broadcast %get3A_356 : i32 to vector<512xi32>
      %lt3A_360 = arith.cmpi slt, %add3A_10, %lt3A_359 : vector<512xi32>
      %and3A_361 = arith.andi %ge3A_358, %lt3A_360 : vector<512xi1>
      %le3A_362 = arith.constant 11 : i32
      %le3A_363 = arith.cmpi sle, %sub3A_68, %le3A_362 : i32
      %and3A_364 = vector.broadcast %le3A_363 : i1 to vector<512xi1>
      %and3A_365 = arith.andi %and3A_361, %and3A_364 : vector<512xi1>
      %convert_element_type3A_366 = arith.extui %and3A_365 : vector<512xi1> to vector<512xi32>
      %convert_element_type3A_367 = arith.sitofp %convert_element_type3A_366 : vector<512xi32> to vector<512xf32>
      %convert_element_type3A_368 = arith.truncf %convert_element_type3A_367 : vector<512xf32> to vector<512xbf16>
      %broadcast_in_dim3A_369 = vector.shape_cast %convert_element_type3A_368 : vector<512xbf16> to vector<512x1xbf16>
      %mul3A_370 = vector.broadcast %broadcast_in_dim3A_369 : vector<512x1xbf16> to vector<512x128xbf16>
      %mul3A_371 = arith.mulf %convert_element_type3A, %mul3A_370 : vector<512x128xbf16>
      %add3A_372 = arith.constant 12 : i32
      %add3A_373 = arith.addi %min3A_67, %add3A_372 : i32
      %get3A_374 = arith.index_cast %add3A_373 : i32 to index
      %get3A_375 = memref.load %arg1[%get3A_374] : memref<256xi32, #tpu.memory_space<smem>>
      %add3A_376 = arith.constant 12 : i32
      %add3A_377 = arith.addi %min3A_67, %add3A_376 : i32
      %add3A_378 = arith.constant 1 : i32
      %add3A_379 = arith.addi %add3A_377, %add3A_378 : i32
      %get3A_380 = arith.index_cast %add3A_379 : i32 to index
      %get3A_381 = memref.load %arg1[%get3A_380] : memref<256xi32, #tpu.memory_space<smem>>
      %ge3A_382 = vector.broadcast %get3A_375 : i32 to vector<512xi32>
      %ge3A_383 = arith.cmpi sge, %add3A_10, %ge3A_382 : vector<512xi32>
      %lt3A_384 = vector.broadcast %get3A_381 : i32 to vector<512xi32>
      %lt3A_385 = arith.cmpi slt, %add3A_10, %lt3A_384 : vector<512xi32>
      %and3A_386 = arith.andi %ge3A_383, %lt3A_385 : vector<512xi1>
      %le3A_387 = arith.constant 12 : i32
      %le3A_388 = arith.cmpi sle, %sub3A_68, %le3A_387 : i32
      %and3A_389 = vector.broadcast %le3A_388 : i1 to vector<512xi1>
      %and3A_390 = arith.andi %and3A_386, %and3A_389 : vector<512xi1>
      %convert_element_type3A_391 = arith.extui %and3A_390 : vector<512xi1> to vector<512xi32>
      %convert_element_type3A_392 = arith.sitofp %convert_element_type3A_391 : vector<512xi32> to vector<512xf32>
      %convert_element_type3A_393 = arith.truncf %convert_element_type3A_392 : vector<512xf32> to vector<512xbf16>
      %broadcast_in_dim3A_394 = vector.shape_cast %convert_element_type3A_393 : vector<512xbf16> to vector<512x1xbf16>
      %mul3A_395 = vector.broadcast %broadcast_in_dim3A_394 : vector<512x1xbf16> to vector<512x128xbf16>
      %mul3A_396 = arith.mulf %convert_element_type3A, %mul3A_395 : vector<512x128xbf16>
      %add3A_397 = arith.constant 13 : i32
      %add3A_398 = arith.addi %min3A_67, %add3A_397 : i32
      %get3A_399 = arith.index_cast %add3A_398 : i32 to index
      %get3A_400 = memref.load %arg1[%get3A_399] : memref<256xi32, #tpu.memory_space<smem>>
      %add3A_401 = arith.constant 13 : i32
      %add3A_402 = arith.addi %min3A_67, %add3A_401 : i32
      %add3A_403 = arith.constant 1 : i32
      %add3A_404 = arith.addi %add3A_402, %add3A_403 : i32
      %get3A_405 = arith.index_cast %add3A_404 : i32 to index
      %get3A_406 = memref.load %arg1[%get3A_405] : memref<256xi32, #tpu.memory_space<smem>>
      %ge3A_407 = vector.broadcast %get3A_400 : i32 to vector<512xi32>
      %ge3A_408 = arith.cmpi sge, %add3A_10, %ge3A_407 : vector<512xi32>
      %lt3A_409 = vector.broadcast %get3A_406 : i32 to vector<512xi32>
      %lt3A_410 = arith.cmpi slt, %add3A_10, %lt3A_409 : vector<512xi32>
      %and3A_411 = arith.andi %ge3A_408, %lt3A_410 : vector<512xi1>
      %le3A_412 = arith.constant 13 : i32
      %le3A_413 = arith.cmpi sle, %sub3A_68, %le3A_412 : i32
      %and3A_414 = vector.broadcast %le3A_413 : i1 to vector<512xi1>
      %and3A_415 = arith.andi %and3A_411, %and3A_414 : vector<512xi1>
      %convert_element_type3A_416 = arith.extui %and3A_415 : vector<512xi1> to vector<512xi32>
      %convert_element_type3A_417 = arith.sitofp %convert_element_type3A_416 : vector<512xi32> to vector<512xf32>
      %convert_element_type3A_418 = arith.truncf %convert_element_type3A_417 : vector<512xf32> to vector<512xbf16>
      %broadcast_in_dim3A_419 = vector.shape_cast %convert_element_type3A_418 : vector<512xbf16> to vector<512x1xbf16>
      %mul3A_420 = vector.broadcast %broadcast_in_dim3A_419 : vector<512x1xbf16> to vector<512x128xbf16>
      %mul3A_421 = arith.mulf %convert_element_type3A, %mul3A_420 : vector<512x128xbf16>
      %add3A_422 = arith.constant 14 : i32
      %add3A_423 = arith.addi %min3A_67, %add3A_422 : i32
      %get3A_424 = arith.index_cast %add3A_423 : i32 to index
      %get3A_425 = memref.load %arg1[%get3A_424] : memref<256xi32, #tpu.memory_space<smem>>
      %add3A_426 = arith.constant 14 : i32
      %add3A_427 = arith.addi %min3A_67, %add3A_426 : i32
      %add3A_428 = arith.constant 1 : i32
      %add3A_429 = arith.addi %add3A_427, %add3A_428 : i32
      %get3A_430 = arith.index_cast %add3A_429 : i32 to index
      %get3A_431 = memref.load %arg1[%get3A_430] : memref<256xi32, #tpu.memory_space<smem>>
      %ge3A_432 = vector.broadcast %get3A_425 : i32 to vector<512xi32>
      %ge3A_433 = arith.cmpi sge, %add3A_10, %ge3A_432 : vector<512xi32>
      %lt3A_434 = vector.broadcast %get3A_431 : i32 to vector<512xi32>
      %lt3A_435 = arith.cmpi slt, %add3A_10, %lt3A_434 : vector<512xi32>
      %and3A_436 = arith.andi %ge3A_433, %lt3A_435 : vector<512xi1>
      %le3A_437 = arith.constant 14 : i32
      %le3A_438 = arith.cmpi sle, %sub3A_68, %le3A_437 : i32
      %and3A_439 = vector.broadcast %le3A_438 : i1 to vector<512xi1>
      %and3A_440 = arith.andi %and3A_436, %and3A_439 : vector<512xi1>
      %convert_element_type3A_441 = arith.extui %and3A_440 : vector<512xi1> to vector<512xi32>
      %convert_element_type3A_442 = arith.sitofp %convert_element_type3A_441 : vector<512xi32> to vector<512xf32>
      %convert_element_type3A_443 = arith.truncf %convert_element_type3A_442 : vector<512xf32> to vector<512xbf16>
      %broadcast_in_dim3A_444 = vector.shape_cast %convert_element_type3A_443 : vector<512xbf16> to vector<512x1xbf16>
      %mul3A_445 = vector.broadcast %broadcast_in_dim3A_444 : vector<512x1xbf16> to vector<512x128xbf16>
      %mul3A_446 = arith.mulf %convert_element_type3A, %mul3A_445 : vector<512x128xbf16>
      %add3A_447 = arith.constant 15 : i32
      %add3A_448 = arith.addi %min3A_67, %add3A_447 : i32
      %get3A_449 = arith.index_cast %add3A_448 : i32 to index
      %get3A_450 = memref.load %arg1[%get3A_449] : memref<256xi32, #tpu.memory_space<smem>>
      %add3A_451 = arith.constant 15 : i32
      %add3A_452 = arith.addi %min3A_67, %add3A_451 : i32
      %add3A_453 = arith.constant 1 : i32
      %add3A_454 = arith.addi %add3A_452, %add3A_453 : i32
      %get3A_455 = arith.index_cast %add3A_454 : i32 to index
      %get3A_456 = memref.load %arg1[%get3A_455] : memref<256xi32, #tpu.memory_space<smem>>
      %ge3A_457 = vector.broadcast %get3A_450 : i32 to vector<512xi32>
      %ge3A_458 = arith.cmpi sge, %add3A_10, %ge3A_457 : vector<512xi32>
      %lt3A_459 = vector.broadcast %get3A_456 : i32 to vector<512xi32>
      %lt3A_460 = arith.cmpi slt, %add3A_10, %lt3A_459 : vector<512xi32>
      %and3A_461 = arith.andi %ge3A_458, %lt3A_460 : vector<512xi1>
      %le3A_462 = arith.constant 15 : i32
      %le3A_463 = arith.cmpi sle, %sub3A_68, %le3A_462 : i32
      %and3A_464 = vector.broadcast %le3A_463 : i1 to vector<512xi1>
      %and3A_465 = arith.andi %and3A_461, %and3A_464 : vector<512xi1>
      %convert_element_type3A_466 = arith.extui %and3A_465 : vector<512xi1> to vector<512xi32>
      %convert_element_type3A_467 = arith.sitofp %convert_element_type3A_466 : vector<512xi32> to vector<512xf32>
      %convert_element_type3A_468 = arith.truncf %convert_element_type3A_467 : vector<512xf32> to vector<512xbf16>
      %broadcast_in_dim3A_469 = vector.shape_cast %convert_element_type3A_468 : vector<512xbf16> to vector<512x1xbf16>
      %mul3A_470 = vector.broadcast %broadcast_in_dim3A_469 : vector<512x1xbf16> to vector<512x128xbf16>
      %mul3A_471 = arith.mulf %convert_element_type3A, %mul3A_470 : vector<512x128xbf16>
      %concatenate3A = tpu.concatenate %mul3A_96, %mul3A_121, %mul3A_146, %mul3A_171, %mul3A_196, %mul3A_221, %mul3A_246, %mul3A_271, %mul3A_296, %mul3A_321, %mul3A_346, %mul3A_371, %mul3A_396, %mul3A_421, %mul3A_446, %mul3A_471 in 1 : vector<512x128xbf16>, vector<512x128xbf16>, vector<512x128xbf16>, vector<512x128xbf16>, vector<512x128xbf16>, vector<512x128xbf16>, vector<512x128xbf16>, vector<512x128xbf16>, vector<512x128xbf16>, vector<512x128xbf16>, vector<512x128xbf16>, vector<512x128xbf16>, vector<512x128xbf16>, vector<512x128xbf16>, vector<512x128xbf16>, vector<512x128xbf16> -> vector<512x2048xbf16>
      %dot_general3A_472 = arith.constant dense<0.000000e+00> : vector<512x128xf32>
      %dot_general3A_473 = tpu.matmul %concatenate3A, %convert_element_type3A_73, %dot_general3A_472 {dimension_numbers = #tpu.dot_dimension_numbers<[1], [0], [0], [1], [0, 0, 1, 1], [], []>, transpose_lhs_hint = false} : vector<512x2048xbf16>, vector<2048x128xbf16>, vector<512x128xf32> -> vector<512x128xf32>
      %add3A_474 = arith.addf %while3A_63, %dot_general3A_473 : vector<512x128xf32>
      scf.yield %add3A_474 : vector<512x128xf32>
    }
    %swap3A = arith.constant 0 : index
    %swap3A_60 = arith.constant 0 : index
    %swap3A_61 = vector.load %arg7[%swap3A, %swap3A_60] : memref<512x128xf32, #tpu.memory_space<vmem>>, vector<512x128xf32>
    tpu.vector_store %arg7[%swap3A, %swap3A_60], %while3A_59 {strides = array<i32>} : memref<512x128xf32, #tpu.memory_space<vmem>>, vector<512x128xf32>,
    return
  }
  func.func @transform_0(%arg0: i32) -> i32 {
    %c0_i32 = arith.constant 0 : i32
    %c0_i32_0 = arith.constant 0 : i32
    return %c0_i32 : i32
  }
  func.func @transform_1(%arg0: i32) -> (i32, i32) {
    %c0_i32 = arith.constant 0 : i32
    %c0_i32_0 = arith.constant 0 : i32
    %c0_i32_1 = arith.constant 0 : i32
    return %c0_i32, %c0_i32_0 : i32, i32
  }
  func.func @transform_2(%arg0: i32) -> i32 {
    %c0_i32 = arith.constant 0 : i32
    %c0_i32_0 = arith.constant 0 : i32
    return %c0_i32 : i32
  }
  func.func @transform_3(%arg0: i32) -> (i32, i32) {
    %c0_i32 = arith.constant 0 : i32
    %c0_i32_0 = arith.constant 0 : i32
    return %arg0, %c0_i32 : i32, i32
  }
  func.func @transform_4(%arg0: i32) -> (i32, i32, i32) {
    %c0_i32 = arith.constant 0 : i32
    %c0_i32_0 = arith.constant 0 : i32
    %c0_i32_1 = arith.constant 0 : i32
    %c0_i32_2 = arith.constant 0 : i32
    return %c0_i32, %c0_i32_0, %c0_i32_1 : i32, i32, i32
  }
  func.func @transform_5(%arg0: i32) -> (i32, i32) {
    %c0_i32 = arith.constant 0 : i32
    %c0_i32_0 = arith.constant 0 : i32
    %c0_i32_1 = arith.constant 0 : i32
    return %c0_i32, %c0_i32_0 : i32, i32
  }
  func.func @transform_6(%arg0: i32) -> (i32, i32) {
    %c0_i32 = arith.constant 0 : i32
    %c0_i32_0 = arith.constant 0 : i32
    return %arg0, %c0_i32 : i32, i32
  }
}

</mosaic_0001>

<sc_bundles>
// kernel: kernel.6.cloned.1.call-start
scs
__scs_entry_jumppad:
0x0: {  	(pc) =	sbr.rel $0x88, $3  }
0x1: {  	(tag) =	ssettag $0x0;
	lr =	simm.s32 $0x1  }
0x2: {  	[smem:$0x3F9A] =	sst lr;
	_ =	strace $0xD0000000  }
0x3: {  	_ = 	snop  }
0x4: {  	_ = 	snop  }
0x5: {  	_ = 	snop  }
0x6: {  	_ = 	snop  }
0x7: {  	_ = 	snop  }
__scs_overlays_trampoline_lowered:
0x8: {  	[smem:$0x3FA9] =	sst s0  }
0x9: {  	[smem:$0x3FAA] =	sst s1  }
0xa: {  	[smem:$0x3FAB] =	sst s2  }
0xb: {  	[smem:$0x3FAC] =	sst s3  }
0xc: {  	[smem:$0x3FAD] =	sst s4  }
0xd: {  	[smem:$0x3FAE] =	sst s5  }
0xe: {  	[smem:$0x3FAF] =	sst s6  }
0xf: {  	[smem:$0x3FB0] =	sst s7  }
0x10: {  	[smem:$0x3FB1] =	sst s8  }
0x11: {  	[smem:$0x3FB2] =	sst s9;
	s0 =	simm.s32 @!p0 $0x0  }
0x12: {  	s1 =	sld [smem:$0x3F98];
	s0 =	simm.s32 @p0 $0x1  }
0x13: {  	[smem:$0x3FB3] =	sst s0;
	s0 =	simm.s32 @!p1 $0x0  }
0x14: {  	s2 =	sld [smem:$0x3F97];
	s0 =	simm.s32 @p1 $0x1  }
0x15: {  	[smem:$0x3FB4] =	sst s0;
	s0 =	simm.s32 @!p2 $0x0  }
0x16: {  	s3 =	sld [smem:$0x3FDB];
	s0 =	simm.s32 @p2 $0x1  }
0x17: {  	s4 =	simm.s32 $0x1BF5;
	[smem:$0x3FB6] =	sst s0  }
0x18: {  	s0 =	sld [smem:$0x3F99];
	_ =	swait.ge [sflag:s4], $0x0  }
0x19: {  	s7 =	sld [smem:$0x3F9A]  }
0x1a: {  	s8 =	sadd.s32 $0xFFFFE003, lr  }
0x1b: {  	s9 =	sadd.s32 $0xFFFFFEF7, lr;
	s5 =	simm.s32 $0xFFFFFFFF;
	p2 =	slt.u32 s8, $0xFFFFF086  }
0x1c: {  	p1 =	slt.u32 s9, $0xF7A;
	s5 =	simm.s32 @!p2 $0x0  }
0x1d: {  	s5 =	simm.s32 @p1 $0x1;
	p0 =	seq.s32 s7, s2  }
0x1e: {  	s7 =	smul.u32 @!p0 $0xF7A, s2;
	p2 =	seq.s32 @!p0 s5, $0x0  }
0x1f: {  	s9 =	smul.u32 $0xF7A, s1;
	s8 =	simm.s32 @!p0 $0x1BF5;
	p2 =	por !p2, p0  }
0x20: {  	[sflag:s8] =	ssyncset.s32 @!p0 $0xFFFFF086;
	s6 =	sadd.s32 @!p0 s3, s7;
	s7 =	simm.s32 @!p0 $0x108  }
0x21: {  	s3 =	sadd.s32 s3, s9;
	s6 =	sadd.s32 @!p0 $0x88, s6;
	s7 =	simm.s32 @p2 $0x1082  }
0x22: {  	[simem:s7], [sflag:s8] =	dma.local @!p0 [hbm:s6], $0xF7A  }
0x23: {  	s9 =	sor.u32 $0xD0000000, s2;
	s6 =	simm.s32 $0x108;
	_ =	swait.ge @!p0 [sflag:s8], $0x0  }
0x24: {  	s3 =	sadd.s32 $0x88, s3;
	s6 =	simm.s32 @!p1 $0x1082;
	[sflag:s4] =	ssyncset.s32 $0xFFFFF086  }
0x25: {  	[simem:s6], [sflag:s4] =	dma.local [hbm:s3], $0xF7A  }
0x26: {  	[smem:$0x3F9A] =	sst s1;
	(tag) =	ssettag s2;
	_ =	strace s9  }
0x27: {  	s1 =	sld [smem:$0x3FAA]  }
0x28: {  	s2 =	sld [smem:$0x3FAB]  }
0x29: {  	s4 =	sld [smem:$0x3FAD]  }
0x2a: {  	p0 =	seq.s32 s5, $0x0;
	s5 =	sld [smem:$0x3FAE]  }
0x2b: {  	s6 =	sld [smem:$0x3FAF]  }
0x2c: {  	s7 =	sld [smem:$0x3FB0]  }
0x2d: {  	s3 =	simm.s32 $0x108;
	s8 =	sld [smem:$0x3FB1]  }
0x2e: {  	s3 =	simm.s32 @!p0 $0x1082;
	s9 =	sld [smem:$0x3FB2]  }
0x2f: {  	lr =	sadd.s32 s0, s3;
	s0 =	sld [smem:$0x3FA9]  }
0x30: {  	s3 =	sld [smem:$0x3FAC]  }
0x31: {  	[smem:$0x3FB5] =	sst s10  }
0x32: {  	s10 =	sld [smem:$0x3FB3];
	_ =	sdelay $0x3  }
0x33: {  	p0 =	seq.s32 s10, $0x1;
	s10 =	sld [smem:$0x3FB5];
	_ =	sdelay $0x3  }
0x34: {  	[smem:$0x3FB5] =	sst s10  }
0x35: {  	s10 =	sld [smem:$0x3FB4];
	_ =	sdelay $0x3  }
0x36: {  	p1 =	seq.s32 s10, $0x1;
	s10 =	sld [smem:$0x3FB5];
	_ =	sdelay $0x3  }
0x37: {  	[smem:$0x3FB5] =	sst s10  }
0x38: {  	s10 =	sld [smem:$0x3FB6]  }
0x39: {  	_ = 	snop;
	(pc) =	sbr.ind lr, $3  }
0x3a: {  	_ = 	snop  }
0x3b: {  	_ = 	snop  }
0x3c: {  	p2 =	seq.s32 s10, $0x1;
	s10 =	sld [smem:$0x3FB5]  }
0x3d: {  	_ =	shalt  }
0x3e: {  	_ =	shalt  }
0x3f: {  	_ =	shalt  }
0x40: {  	_ =	shalt  }
0x41: {  	_ =	shalt  }
0x42: {  	_ =	shalt  }
0x43: {  	_ =	shalt  }
0x44: {  	_ =	shalt  }
0x45: {  	_ =	shalt  }
0x46: {  	_ =	shalt  }
0x47: {  	_ =	shalt  }
0x48: {  	_ =	shalt  }
0x49: {  	_ =	shalt  }
0x4a: {  	_ =	shalt  }
0x4b: {  	_ =	shalt  }
0x4c: {  	_ =	shalt  }
0x4d: {  	_ =	shalt  }
0x4e: {  	_ =	shalt  }
0x4f: {  	_ =	shalt  }
0x50: {  	_ =	shalt  }
0x51: {  	_ =	shalt  }
0x52: {  	_ =	shalt  }
0x53: {  	_ =	shalt  }
0x54: {  	_ =	shalt  }
0x55: {  	_ =	shalt  }
0x56: {  	_ =	shalt  }
0x57: {  	_ =	shalt  }
0x58: {  	_ =	shalt  }
0x59: {  	_ =	shalt  }
0x5a: {  	_ =	shalt  }
0x5b: {  	_ =	shalt  }
0x5c: {  	_ =	shalt  }
0x5d: {  	_ =	shalt  }
0x5e: {  	_ =	shalt  }
0x5f: {  	_ =	shalt  }
0x60: {  	_ =	shalt  }
0x61: {  	_ =	shalt  }
0x62: {  	_ =	shalt  }
0x63: {  	_ =	shalt  }
0x64: {  	_ =	shalt  }
0x65: {  	_ =	shalt  }
0x66: {  	_ =	shalt  }
0x67: {  	_ =	shalt  }
0x68: {  	_ =	shalt  }
0x69: {  	_ =	shalt  }
0x6a: {  	_ =	shalt  }
0x6b: {  	_ =	shalt  }
0x6c: {  	_ =	shalt  }
0x6d: {  	_ =	shalt  }
0x6e: {  	_ =	shalt  }
0x6f: {  	_ =	shalt  }
0x70: {  	_ =	shalt  }
0x71: {  	_ =	shalt  }
0x72: {  	_ =	shalt  }
0x73: {  	_ =	shalt  }
0x74: {  	_ =	shalt  }
0x75: {  	_ =	shalt  }
0x76: {  	_ =	shalt  }
0x77: {  	_ =	shalt  }
0x78: {  	_ =	shalt  }
0x79: {  	_ =	shalt  }
0x7a: {  	_ =	shalt  }
0x7b: {  	_ =	shalt  }
0x7c: {  	_ =	shalt  }
0x7d: {  	_ =	shalt  }
0x7e: {  	_ =	shalt  }
0x7f: {  	_ =	shalt  }
0x80: {  	_ =	shalt  }
0x81: {  	_ =	shalt  }
0x82: {  	_ =	shalt  }
0x83: {  	_ =	shalt  }
0x84: {  	_ =	shalt  }
0x85: {  	_ =	shalt  }
0x86: {  	_ =	shalt  }
0x87: {  	_ =	shalt  }
.Lfunc_end0:
.L_simem_size_0:
called_computation_lowered:
.L_overlay_start_0:
0x88: {  	s2 =	sld [smem:$0x3FD9]  }
0x89: {  	s3 =	sld [smem:$0x3FFE];
	_ =	sdelay $0x1  }
0x8a: {  	s1 =	srdreg.scid  }
0x8b: {  	s0 =	sand.u32 $0x1, s1  }
0x8c: {  	s17 =	sshll.u32 s0, $0xA;
	s2 =	sadd.s32 s3, s2  }
0x8d: {  	s2 =	sadd.s32 s2, s17  }
0x8e: {  	[smem:$0x3FC1] =	sst s2  }
0x8f: {  	_ = 	snop  }
0x90: {  	s2 =	sld [smem:$0x3FD0];
	(tm) =	ssettm $0x1  }
0x91: {  	s18 =	sld [smem:$0x3FFB];
	_ =	sdelay $0x3  }
0x92: {  	_ =	strace s18  }
0x93: {  	s3 =	sld [smem:$0x3FFC];
	_ =	sdelay $0x3  }
0x94: {  	_ =	strace s3  }
0x95: {  	s3 =	sld [smem:$0x3FFD];
	_ =	sdelay $0x3  }
0x96: {  	_ =	strace s3  }
0x97: {  	_ =	strace $0x8FFFFFFF  }
0x98: {  	s19 =	sld [smem:$0x3FDB];
	_ =	sdelay $0x1  }
0x99: {  	s4 =	simm.s32 $_scs_section_size  }
0x9a: {  	s5 =	simm.s32 $_size__tile_overlayer_lowered;
	s6 =	simm.s32 $_tile_overlayer_lowered  }
0x9b: {  	s22 =	simm.s32 $0x1BFF;
	s21 =	sshll.u32 s6, $0x1;
	s3 =	sadd.s32 s4, s19  }
0x9c: {  	s7 =	simm.s32 $0x0;
	s20 =	sshll.u32 s5, $0x1;
	s5 =	sadd.s32 s21, s3  }
0x9d: {  	[timem:s7], [sflag:s22] =	dma.local [hbm:s5], s20  }
0x9e: {  	_ =	swait.ge [sflag:s22], s20  }
0x9f: {  	s4 =	ssub.s32 $0x0, s20;
	[sflag:s22] =	ssyncset.done $0x0  }
0xa0: {  	[sflag:s22] =	ssyncadd.s32 s4;
	_ =	sdelay $0x1  }
0xa1: {  	s23 =	simm.s32 $0x1B8B  }
0xa2: {  	_ =	swait.ge [sflag:s23], $0x1  }
0xa3: {  	[sflag:s23] =	ssyncset.done $0x0  }
0xa4: {  	s25 =	simm.s32 $0x1B8E;
	s24 =	sld [smem:$0x3FFE];
	[sflag:s23] =	ssyncadd.s32 $0xFFFFFFFF  }
0xa5: {  	s26 =	simm.s32 $execute0_lowered;
	[smem:$0x3FD2] =	sst s25  }
0xa6: {  	s5 =	sshll.u32 s26, $0x1;
	_ =	strace $0x80000046;
	[dreg:$0x1] =	wrdreg $0xFFFFFFFF  }
0xa7: {  	s28 =	simm.s32 $_size_execute0_lowered;
	s3 =	sadd.s32 s3, s5;
	[dreg:$0x0] =	wrdreg $0x0  }
0xa8: {  	s5 =	sshll.u32 s28, $0x1;
	[dreg:$0x2] =	wrdreg s3  }
0xa9: {  	[dreg:$0x3] =	wrdreg s5  }
0xaa: {  	[dreg:$0x4] =	wrdreg $0xC0  }
0xab: {  	_ =	task [dreg:s7], $0x5FFFF  }
0xac: {  	[dreg:$0x1] =	wrdreg $0xFFFFFFFF  }
0xad: {  	[dreg:$0x0] =	wrdreg $0x60  }
0xae: {  	[dreg:$0x2] =	wrdreg s2  }
0xaf: {  	[dreg:$0x3] =	wrdreg s24  }
0xb0: {  	[dreg:$0x4] =	wrdreg $0x9  }
0xb1: {  	_ =	task.clear_ibuf [dreg:s7], $0x5FFFF;
	_ =	strace $0x90000046  }
0xb2: {  	s29 =	simm.s32 $0x9;
	_ =	strace $0x80000048  }
0xb3: {  	_ =	swait.ge [sflag:s29], $0x1  }
0xb4: {  	[sflag:s29] =	ssyncadd.s32 $0xFFFFFFFF  }
0xb5: {  	_ =	strace $0x90000048  }
0xb6: {  	_ =	sfence  }
0xb7: {  	s30 =	sld [smem:$0x0];
	_ =	sdelay $0x2  }
0xb8: {  	s31 =	sshll.u32 s1, $0xD;
	s1 =	sshrl.u32 s1, $0x2  }
0xb9: {  	s3 =	sand.u32 $0x4000, s31;
	s1 =	sadd.s32 s1, s30  }
0xba: {  	s0 =	sor.u32 s3, s0;
	s1 =	sshll.u32 s1, $0x11  }
0xbb: {  	s0 =	sor.u32 s1, s0  }
0xbc: {  	s0 =	sadd.s32 $0x8F2B, s0  }
0xbd: {  	[sflag:s0] =	ssyncadd.remote.s32 $0x1  }
0xbe: {  	_ =	sfence.sel $0xFFFF  }
0xbf: {  	[dreg:$0x0] =	wrdreg $0xFFFFFFFF;
	(pc) =	sbr.abs _section_cstart, $3  }
0xc0: {  	[dreg:$0x1] =	wrdreg $0xFFFFFFFF  }
0xc1: {  	_ =	task.clear_ibuf [dreg:s7], $0x2FFFF;
	_ =	strace $0x9FFFFFFF  }
0xc2: {  	(tm) =	ssettm $0x7FFFFFFF  }
0xc3: {  	_ =	shalt  }
tec
execute0_lowered:
.L_overlay_start_1:
0x0: {  	(tag) =	ssettag $0x1  }
0x1: {  	s1 =	srdreg.scid;
	s0 =	stileid.u32  }
0x2: {  	s8 =	sand.u32 $0x1, s1;
	s31 =	sshll.u32 s0, $0x1  }
0x3: {  	s5 =	rddreg [dreg:$0x0];
	s6 =	sor.u32 s8, s31  }
0x4: {  	s7 =	rddreg [dreg:$0x1];
	s2 =	simm.s32 $0x0;
	s3 =	sshll.u32 s6, $0x5  }
0x5: {  	s4 =	simm.s32 $0x2;
	[smem:$0x7FF] =	sst s2;
	s3 =	sadd.s32 s3, s7  }
0x6: {  	s1 =	rddreg [dreg:$0x2];
	_ =	strace $0x80000047;
	s3 =	sadd.s32 $0x1A00, s3  }
0x7: {  	[tilespmem:s2], [sflag:$0x2] =	stream.linear.gather [hbm4b:s3+s2], $0x100, $0x38;
	[tilespmem:$0x8100] =	vst v63  }
0x8: {  	_ =	swait.ge [sflag:s4], $0x100  }
0x9: {  	s10 =	ssub.s32 $0x2, s8;
	s6 =	sshll.u32 s6, $0xC;
	[sflag:s4] =	ssyncset.done $0x0  }
0xa: {  	s5 =	sadd.s32 s5, s6;
	s6 =	simm.s32 $0x100;
	[sflag:s4] =	ssyncadd.s32 $0xFFFFFF00  }
0xb: {  	[tilespmem:s6], [sflag:$0x2] =	stream.linear.gather [hbm4b:s5+s2], $0x8000, $0x38;
	[tilespmem:$0x8100] =	vst v63  }
0xc: {  	s9 =	simm.s32 $0x80;
	s11 =	sshrl.u32 s10, $0x1;
	_ =	swait.ge [sflag:s4], $0x8000  }
0xd: {  	s8 =	simm.s32 $0x1;
	s10 =	ssub.s32 s10, s11;
	[sflag:s4] =	ssyncset.done $0x0  }
0xe: {  	s7 =	sadd.s32 $0x1E00, s7;
	s11 =	smax.u32 s10, $0x1;
	[sflag:s4] =	ssyncadd.s32 $0xFFFF8000  }
0xf: {  	[hbm4b:s7+s9] =	stream.indirect.scatter [tilespmem:s6], [sflag:$0x1], $0x80, s2, s9, $0xb8;
	[tilespmem:$0x8100] =	vst v63  }
0x10: {  	p0 =	sne.s32 s11, $0x1;
	_ =	swait.ge [sflag:s8], $0x4000  }
.Ltmp0:
0x11: {  	[sflag:s8] =	ssyncset.done $0x0;
	(pc) =	sbr.rel @!p0 .LBB2_2-.Ltmp0, $4  }
0x12: {  	s10 =	simm.s32 $0x4100;
	[sflag:s8] =	ssyncadd.s32 $0xFFFFC000  }
0x13: {  	[hbm4b:s7+s9] =	stream.indirect.scatter [tilespmem:s10], [sflag:$0x1], $0x80, s9, s9, $0xb8;
	[tilespmem:$0x8100] =	vst v63  }
0x14: {  	_ =	swait.ge [sflag:s8], $0x4000  }
0x15: {  	s11 =	sadd.s32 $0xFFFFFFFF, s11;
	[sflag:s8] =	ssyncset.done $0x0  }
.LBB2_1:
0x16: {  	p0 =	sne.s32 s11, $0x1;
	s11 =	sadd.s32 $0xFFFFFFFF, s11;
	[sflag:s8] =	ssyncadd.s32 $0xFFFFC000  }
0x17: {  	[tilespmem:s2], [sflag:$0x2] =	stream.linear.gather [hbm4b:s3+s2], $0x100, $0x38;
	[tilespmem:$0x8100] =	vst v63  }
0x18: {  	_ =	swait.ge [sflag:s4], $0x100  }
0x19: {  	[sflag:s4] =	ssyncset.done $0x0  }
0x1a: {  	[sflag:s4] =	ssyncadd.s32 $0xFFFFFF00  }
0x1b: {  	[tilespmem:s6], [sflag:$0x2] =	stream.linear.gather [hbm4b:s5+s2], $0x8000, $0x38;
	[tilespmem:$0x8100] =	vst v63  }
0x1c: {  	_ =	swait.ge [sflag:s4], $0x8000  }
0x1d: {  	[sflag:s4] =	ssyncset.done $0x0  }
0x1e: {  	[sflag:s4] =	ssyncadd.s32 $0xFFFF8000  }
0x1f: {  	[hbm4b:s7+s9] =	stream.indirect.scatter [tilespmem:s6], [sflag:$0x1], $0x80, s2, s9, $0xb8;
	[tilespmem:$0x8100] =	vst v63  }
0x20: {  	_ =	swait.ge [sflag:s8], $0x4000  }
.Ltmp1:
0x21: {  	[sflag:s8] =	ssyncset.done $0x0;
	(pc) =	sbr.rel @p0 .LBB2_1-.Ltmp1, $4  }
0x22: {  	[sflag:s8] =	ssyncadd.s32 $0xFFFFC000  }
0x23: {  	[hbm4b:s7+s9] =	stream.indirect.scatter [tilespmem:s10], [sflag:$0x1], $0x80, s9, s9, $0xb8;
	[tilespmem:$0x8100] =	vst v63  }
0x24: {  	_ =	swait.ge [sflag:s8], $0x4000  }
0x25: {  	[sflag:s8] =	ssyncset.done $0x0  }
.LBB2_2:
0x26: {  	[sflag:s8] =	ssyncadd.s32 $0xFFFFC000  }
0x27: {  	_ =	sfence.sel $0x180000  }
0x28: {  	[bflag:$0x0] =	sbarrier.arrive $0xFFFF  }
0x29: {  	p0 =	sne.s32 s0, $0x0;
	_ =	strace $0x90000047  }
0x2a: {  	s0 =	sadd.s32 @!p0 $0x100000, s1;
	[bflag:$0x2] =	sbarrier.arrive $0xFFFF  }
0x2b: {  	[sflag:s0] =	ssyncadd.tile.s32 @!p0 $0x1;
	_ =	shalt  }
.Lfunc_end2:
_tile_overlayer_lowered:
.L_overlay_start_2:
0x2c: {  	(tag) =	ssettag $0x2  }
0x2d: {  	s0 =	rddreg [dreg:$0x0];
	s2 =	stileid.u32  }
0x2e: {  	s1 =	rddreg [dreg:$0x1];
	p0 =	sne.s32 s2, $0x0  }
0x2f: {  	s3 =	rddreg [dreg:$0x2];
	[bflag:$0x3] =	sbarrier.arrive $0xFFFF;
	s2 =	simm.s32 @!p0 $0x1C02  }
0x30: {  	[timem:s3], [sflag:s2] =	dma.local @!p0 [hbm:s0], s1  }
0x31: {  	s0 =	simm.s32 @!p0 $0x2  }
0x32: {  	_ =	swait.ge @!p0 [sflag:s0], s1  }
0x33: {  	s1 =	ssub.s32 @!p0 $0x0, s1;
	[sflag:s0] =	ssyncset.done @!p0 $0x0  }
0x34: {  	[sflag:s0] =	ssyncadd.s32 @!p0 s1  }
0x35: {  	[bflag:$0x3] =	sbarrier.arrive $0xFFFF  }
0x36: {  	_ =	shalt  }

// kernel: kernel.9.cloned.1.call-start
scs
__scs_entry_jumppad:
0x0: {  	(pc) =	sbr.rel $0x88, $3  }
0x1: {  	(tag) =	ssettag $0x0;
	lr =	simm.s32 $0x1  }
0x2: {  	[smem:$0x3F9A] =	sst lr;
	_ =	strace $0xD0000000  }
0x3: {  	_ = 	snop  }
0x4: {  	_ = 	snop  }
0x5: {  	_ = 	snop  }
0x6: {  	_ = 	snop  }
0x7: {  	_ = 	snop  }
__scs_overlays_trampoline_lowered:
0x8: {  	[smem:$0x3FA9] =	sst s0  }
0x9: {  	[smem:$0x3FAA] =	sst s1  }
0xa: {  	[smem:$0x3FAB] =	sst s2  }
0xb: {  	[smem:$0x3FAC] =	sst s3  }
0xc: {  	[smem:$0x3FAD] =	sst s4  }
0xd: {  	[smem:$0x3FAE] =	sst s5  }
0xe: {  	[smem:$0x3FAF] =	sst s6  }
0xf: {  	[smem:$0x3FB0] =	sst s7  }
0x10: {  	[smem:$0x3FB1] =	sst s8  }
0x11: {  	[smem:$0x3FB2] =	sst s9;
	s0 =	simm.s32 @!p0 $0x0  }
0x12: {  	s1 =	sld [smem:$0x3F98];
	s0 =	simm.s32 @p0 $0x1  }
0x13: {  	[smem:$0x3FB3] =	sst s0;
	s0 =	simm.s32 @!p1 $0x0  }
0x14: {  	s2 =	sld [smem:$0x3F97];
	s0 =	simm.s32 @p1 $0x1  }
0x15: {  	[smem:$0x3FB4] =	sst s0;
	s0 =	simm.s32 @!p2 $0x0  }
0x16: {  	s3 =	sld [smem:$0x3FDB];
	s0 =	simm.s32 @p2 $0x1  }
0x17: {  	s4 =	simm.s32 $0x1BF5;
	[smem:$0x3FB6] =	sst s0  }
0x18: {  	s0 =	sld [smem:$0x3F99];
	_ =	swait.ge [sflag:s4], $0x0  }
0x19: {  	s7 =	sld [smem:$0x3F9A]  }
0x1a: {  	s8 =	sadd.s32 $0xFFFFE003, lr  }
0x1b: {  	s9 =	sadd.s32 $0xFFFFFEF7, lr;
	s5 =	simm.s32 $0xFFFFFFFF;
	p2 =	slt.u32 s8, $0xFFFFF086  }
0x1c: {  	p1 =	slt.u32 s9, $0xF7A;
	s5 =	simm.s32 @!p2 $0x0  }
0x1d: {  	s5 =	simm.s32 @p1 $0x1;
	p0 =	seq.s32 s7, s2  }
0x1e: {  	s7 =	smul.u32 @!p0 $0xF7A, s2;
	p2 =	seq.s32 @!p0 s5, $0x0  }
0x1f: {  	s9 =	smul.u32 $0xF7A, s1;
	s8 =	simm.s32 @!p0 $0x1BF5;
	p2 =	por !p2, p0  }
0x20: {  	[sflag:s8] =	ssyncset.s32 @!p0 $0xFFFFF086;
	s6 =	sadd.s32 @!p0 s3, s7;
	s7 =	simm.s32 @!p0 $0x108  }
0x21: {  	s3 =	sadd.s32 s3, s9;
	s6 =	sadd.s32 @!p0 $0x88, s6;
	s7 =	simm.s32 @p2 $0x1082  }
0x22: {  	[simem:s7], [sflag:s8] =	dma.local @!p0 [hbm:s6], $0xF7A  }
0x23: {  	s9 =	sor.u32 $0xD0000000, s2;
	s6 =	simm.s32 $0x108;
	_ =	swait.ge @!p0 [sflag:s8], $0x0  }
0x24: {  	s3 =	sadd.s32 $0x88, s3;
	s6 =	simm.s32 @!p1 $0x1082;
	[sflag:s4] =	ssyncset.s32 $0xFFFFF086  }
0x25: {  	[simem:s6], [sflag:s4] =	dma.local [hbm:s3], $0xF7A  }
0x26: {  	[smem:$0x3F9A] =	sst s1;
	(tag) =	ssettag s2;
	_ =	strace s9  }
0x27: {  	s1 =	sld [smem:$0x3FAA]  }
0x28: {  	s2 =	sld [smem:$0x3FAB]  }
0x29: {  	s4 =	sld [smem:$0x3FAD]  }
0x2a: {  	p0 =	seq.s32 s5, $0x0;
	s5 =	sld [smem:$0x3FAE]  }
0x2b: {  	s6 =	sld [smem:$0x3FAF]  }
0x2c: {  	s7 =	sld [smem:$0x3FB0]  }
0x2d: {  	s3 =	simm.s32 $0x108;
	s8 =	sld [smem:$0x3FB1]  }
0x2e: {  	s3 =	simm.s32 @!p0 $0x1082;
	s9 =	sld [smem:$0x3FB2]  }
0x2f: {  	lr =	sadd.s32 s0, s3;
	s0 =	sld [smem:$0x3FA9]  }
0x30: {  	s3 =	sld [smem:$0x3FAC]  }
0x31: {  	[smem:$0x3FB5] =	sst s10  }
0x32: {  	s10 =	sld [smem:$0x3FB3];
	_ =	sdelay $0x3  }
0x33: {  	p0 =	seq.s32 s10, $0x1;
	s10 =	sld [smem:$0x3FB5];
	_ =	sdelay $0x3  }
0x34: {  	[smem:$0x3FB5] =	sst s10  }
0x35: {  	s10 =	sld [smem:$0x3FB4];
	_ =	sdelay $0x3  }
0x36: {  	p1 =	seq.s32 s10, $0x1;
	s10 =	sld [smem:$0x3FB5];
	_ =	sdelay $0x3  }
0x37: {  	[smem:$0x3FB5] =	sst s10  }
0x38: {  	s10 =	sld [smem:$0x3FB6]  }
0x39: {  	_ = 	snop;
	(pc) =	sbr.ind lr, $3  }
0x3a: {  	_ = 	snop  }
0x3b: {  	_ = 	snop  }
0x3c: {  	p2 =	seq.s32 s10, $0x1;
	s10 =	sld [smem:$0x3FB5]  }
0x3d: {  	_ =	shalt  }
0x3e: {  	_ =	shalt  }
0x3f: {  	_ =	shalt  }
0x40: {  	_ =	shalt  }
0x41: {  	_ =	shalt  }
0x42: {  	_ =	shalt  }
0x43: {  	_ =	shalt  }
0x44: {  	_ =	shalt  }
0x45: {  	_ =	shalt  }
0x46: {  	_ =	shalt  }
0x47: {  	_ =	shalt  }
0x48: {  	_ =	shalt  }
0x49: {  	_ =	shalt  }
0x4a: {  	_ =	shalt  }
0x4b: {  	_ =	shalt  }
0x4c: {  	_ =	shalt  }
0x4d: {  	_ =	shalt  }
0x4e: {  	_ =	shalt  }
0x4f: {  	_ =	shalt  }
0x50: {  	_ =	shalt  }
0x51: {  	_ =	shalt  }
0x52: {  	_ =	shalt  }
0x53: {  	_ =	shalt  }
0x54: {  	_ =	shalt  }
0x55: {  	_ =	shalt  }
0x56: {  	_ =	shalt  }
0x57: {  	_ =	shalt  }
0x58: {  	_ =	shalt  }
0x59: {  	_ =	shalt  }
0x5a: {  	_ =	shalt  }
0x5b: {  	_ =	shalt  }
0x5c: {  	_ =	shalt  }
0x5d: {  	_ =	shalt  }
0x5e: {  	_ =	shalt  }
0x5f: {  	_ =	shalt  }
0x60: {  	_ =	shalt  }
0x61: {  	_ =	shalt  }
0x62: {  	_ =	shalt  }
0x63: {  	_ =	shalt  }
0x64: {  	_ =	shalt  }
0x65: {  	_ =	shalt  }
0x66: {  	_ =	shalt  }
0x67: {  	_ =	shalt  }
0x68: {  	_ =	shalt  }
0x69: {  	_ =	shalt  }
0x6a: {  	_ =	shalt  }
0x6b: {  	_ =	shalt  }
0x6c: {  	_ =	shalt  }
0x6d: {  	_ =	shalt  }
0x6e: {  	_ =	shalt  }
0x6f: {  	_ =	shalt  }
0x70: {  	_ =	shalt  }
0x71: {  	_ =	shalt  }
0x72: {  	_ =	shalt  }
0x73: {  	_ =	shalt  }
0x74: {  	_ =	shalt  }
0x75: {  	_ =	shalt  }
0x76: {  	_ =	shalt  }
0x77: {  	_ =	shalt  }
0x78: {  	_ =	shalt  }
0x79: {  	_ =	shalt  }
0x7a: {  	_ =	shalt  }
0x7b: {  	_ =	shalt  }
0x7c: {  	_ =	shalt  }
0x7d: {  	_ =	shalt  }
0x7e: {  	_ =	shalt  }
0x7f: {  	_ =	shalt  }
0x80: {  	_ =	shalt  }
0x81: {  	_ =	shalt  }
0x82: {  	_ =	shalt  }
0x83: {  	_ =	shalt  }
0x84: {  	_ =	shalt  }
0x85: {  	_ =	shalt  }
0x86: {  	_ =	shalt  }
0x87: {  	_ =	shalt  }
.Lfunc_end0:
.L_simem_size_0:
called_computation.1_lowered:
.L_overlay_start_0:
0x88: {  	s2 =	sld [smem:$0x3FD9]  }
0x89: {  	s3 =	sld [smem:$0x3FFE];
	_ =	sdelay $0x1  }
0x8a: {  	s1 =	srdreg.scid  }
0x8b: {  	s0 =	sand.u32 $0x1, s1  }
0x8c: {  	s17 =	sshll.u32 s0, $0xA;
	s2 =	sadd.s32 s3, s2  }
0x8d: {  	s2 =	sadd.s32 s2, s17  }
0x8e: {  	[smem:$0x3FC1] =	sst s2  }
0x8f: {  	_ = 	snop  }
0x90: {  	s2 =	sld [smem:$0x3FD0];
	(tm) =	ssettm $0x1  }
0x91: {  	s18 =	sld [smem:$0x3FFB];
	_ =	sdelay $0x3  }
0x92: {  	_ =	strace s18  }
0x93: {  	s3 =	sld [smem:$0x3FFC];
	_ =	sdelay $0x3  }
0x94: {  	_ =	strace s3  }
0x95: {  	s3 =	sld [smem:$0x3FFD];
	_ =	sdelay $0x3  }
0x96: {  	_ =	strace s3  }
0x97: {  	_ =	strace $0x8FFFFFFF  }
0x98: {  	s19 =	sld [smem:$0x3FDB];
	_ =	sdelay $0x1  }
0x99: {  	s4 =	simm.s32 $_scs_section_size  }
0x9a: {  	s5 =	simm.s32 $_size__tile_overlayer_lowered;
	s6 =	simm.s32 $_tile_overlayer_lowered  }
0x9b: {  	s22 =	simm.s32 $0x1BFF;
	s21 =	sshll.u32 s6, $0x1;
	s3 =	sadd.s32 s4, s19  }
0x9c: {  	s7 =	simm.s32 $0x0;
	s20 =	sshll.u32 s5, $0x1;
	s5 =	sadd.s32 s21, s3  }
0x9d: {  	[timem:s7], [sflag:s22] =	dma.local [hbm:s5], s20  }
0x9e: {  	_ =	swait.ge [sflag:s22], s20  }
0x9f: {  	s4 =	ssub.s32 $0x0, s20;
	[sflag:s22] =	ssyncset.done $0x0  }
0xa0: {  	[sflag:s22] =	ssyncadd.s32 s4;
	_ =	sdelay $0x1  }
0xa1: {  	s23 =	simm.s32 $0x1B8B  }
0xa2: {  	_ =	swait.ge [sflag:s23], $0x1  }
0xa3: {  	[sflag:s23] =	ssyncset.done $0x0  }
0xa4: {  	s25 =	simm.s32 $0x1B8E;
	s24 =	sld [smem:$0x3FFE];
	[sflag:s23] =	ssyncadd.s32 $0xFFFFFFFF  }
0xa5: {  	s26 =	simm.s32 $execute0_lowered;
	[smem:$0x3FD2] =	sst s25  }
0xa6: {  	s5 =	sshll.u32 s26, $0x1;
	_ =	strace $0x80000049;
	[dreg:$0x1] =	wrdreg $0xFFFFFFFF  }
0xa7: {  	s28 =	simm.s32 $_size_execute0_lowered;
	s3 =	sadd.s32 s3, s5;
	[dreg:$0x0] =	wrdreg $0x0  }
0xa8: {  	s5 =	sshll.u32 s28, $0x1;
	[dreg:$0x2] =	wrdreg s3  }
0xa9: {  	[dreg:$0x3] =	wrdreg s5  }
0xaa: {  	[dreg:$0x4] =	wrdreg $0xC0  }
0xab: {  	_ =	task [dreg:s7], $0x5FFFF  }
0xac: {  	[dreg:$0x1] =	wrdreg $0xFFFFFFFF  }
0xad: {  	[dreg:$0x0] =	wrdreg $0x60  }
0xae: {  	[dreg:$0x2] =	wrdreg s24  }
0xaf: {  	[dreg:$0x3] =	wrdreg s2  }
0xb0: {  	[dreg:$0x4] =	wrdreg $0x9  }
0xb1: {  	_ =	task.clear_ibuf [dreg:s7], $0x5FFFF;
	_ =	strace $0x90000049  }
0xb2: {  	s29 =	simm.s32 $0x9;
	_ =	strace $0x8000004B  }
0xb3: {  	_ =	swait.ge [sflag:s29], $0x1  }
0xb4: {  	[sflag:s29] =	ssyncadd.s32 $0xFFFFFFFF  }
0xb5: {  	_ =	strace $0x9000004B  }
0xb6: {  	_ =	sfence  }
0xb7: {  	s30 =	sld [smem:$0x0];
	_ =	sdelay $0x2  }
0xb8: {  	s31 =	sshll.u32 s1, $0xD;
	s1 =	sshrl.u32 s1, $0x2  }
0xb9: {  	s3 =	sand.u32 $0x4000, s31;
	s1 =	sadd.s32 s1, s30  }
0xba: {  	s0 =	sor.u32 s3, s0;
	s1 =	sshll.u32 s1, $0x11  }
0xbb: {  	s0 =	sor.u32 s1, s0  }
0xbc: {  	s0 =	sadd.s32 $0x8F2B, s0  }
0xbd: {  	[sflag:s0] =	ssyncadd.remote.s32 $0x1  }
0xbe: {  	_ =	sfence.sel $0xFFFF  }
0xbf: {  	[dreg:$0x0] =	wrdreg $0xFFFFFFFF;
	(pc) =	sbr.abs _section_cstart, $3  }
0xc0: {  	[dreg:$0x1] =	wrdreg $0xFFFFFFFF  }
0xc1: {  	_ =	task.clear_ibuf [dreg:s7], $0x2FFFF;
	_ =	strace $0x9FFFFFFF  }
0xc2: {  	(tm) =	ssettm $0x7FFFFFFF  }
0xc3: {  	_ =	shalt  }
tec
execute0_lowered:
.L_overlay_start_1:
0x0: {  	(tag) =	ssettag $0x1  }
0x1: {  	s1 =	srdreg.scid;
	s0 =	stileid.u32  }
0x2: {  	s5 =	rddreg [dreg:$0x0];
	s9 =	sand.u32 $0x1, s1;
	s30 =	sshll.u32 s0, $0x1  }
0x3: {  	s10 =	rddreg [dreg:$0x1];
	s11 =	sor.u32 s9, s30  }
0x4: {  	s2 =	simm.s32 $0x0;
	s1 =	rddreg [dreg:$0x2];
	s3 =	sshll.u32 s11, $0x5  }
0x5: {  	[smem:$0x7FF] =	sst s2;
	s3 =	sadd.s32 s3, s5  }
0x6: {  	_ =	strace $0x8000004A;
	s4 =	sadd.s32 $0x1A00, s3;
	s3 =	simm.s32 $0x2  }
0x7: {  	[tilespmem:s2], [sflag:$0x2] =	stream.linear.gather [hbm4b:s4+s2], $0x100, $0x38;
	[tilespmem:$0x8100] =	vst v63  }
0x8: {  	s6 =	simm.s32 $0x80;
	_ =	swait.ge [sflag:s3], $0x100  }
0x9: {  	s7 =	simm.s32 $0x100;
	s8 =	simm.s32 $0x1;
	[sflag:s3] =	ssyncset.done $0x0  }
0xa: {  	s12 =	ssub.s32 $0x2, s9;
	s5 =	sadd.s32 $0x1E00, s5;
	[sflag:s3] =	ssyncadd.s32 $0xFFFFFF00  }
0xb: {  	[tilespmem:s7], [sflag:$0x1] =	stream.indirect.gather [hbm4b:s5+s6], $0x80, s2, s6, $0xb8;
	[tilespmem:$0x8100] =	vst v63  }
0xc: {  	s13 =	sshrl.u32 s12, $0x1;
	_ =	swait.ge [sflag:s8], $0x4000  }
0xd: {  	s12 =	ssub.s32 s12, s13;
	[sflag:s8] =	ssyncset.done $0x0  }
0xe: {  	s9 =	simm.s32 $0x4100;
	s31 =	smax.u32 s12, $0x1;
	[sflag:s8] =	ssyncadd.s32 $0xFFFFC000  }
0xf: {  	[tilespmem:s9], [sflag:$0x1] =	stream.indirect.gather [hbm4b:s5+s6], $0x80, s6, s6, $0xb8;
	[tilespmem:$0x8100] =	vst v63  }
0x10: {  	p0 =	sne.s32 s31, $0x1;
	_ =	swait.ge [sflag:s8], $0x4000  }
.Ltmp0:
0x11: {  	s11 =	sshll.u32 s11, $0xC;
	[sflag:s8] =	ssyncset.done $0x0;
	(pc) =	sbr.rel @!p0 .LBB2_2-.Ltmp0, $4  }
0x12: {  	s10 =	sadd.s32 s10, s11;
	[sflag:s8] =	ssyncadd.s32 $0xFFFFC000  }
0x13: {  	[hbm4b:s10+s2] =	stream.linear.scatter [tilespmem:s7], [sflag:$0x2], $0x8000, $0x38;
	[tilespmem:$0x8100] =	vst v63  }
0x14: {  	_ =	swait.ge [sflag:s3], $0x8000  }
0x15: {  	s11 =	sadd.s32 $0xFFFFFFFF, s31;
	[sflag:s3] =	ssyncset.done $0x0  }
.LBB2_1:
0x16: {  	p0 =	sne.s32 s11, $0x1;
	s11 =	sadd.s32 $0xFFFFFFFF, s11;
	[sflag:s3] =	ssyncadd.s32 $0xFFFF8000  }
0x17: {  	[tilespmem:s2], [sflag:$0x2] =	stream.linear.gather [hbm4b:s4+s2], $0x100, $0x38;
	[tilespmem:$0x8100] =	vst v63  }
0x18: {  	_ =	swait.ge [sflag:s3], $0x100  }
0x19: {  	[sflag:s3] =	ssyncset.done $0x0  }
0x1a: {  	[sflag:s3] =	ssyncadd.s32 $0xFFFFFF00  }
0x1b: {  	[tilespmem:s7], [sflag:$0x1] =	stream.indirect.gather [hbm4b:s5+s6], $0x80, s2, s6, $0xb8;
	[tilespmem:$0x8100] =	vst v63  }
0x1c: {  	_ =	swait.ge [sflag:s8], $0x4000  }
0x1d: {  	[sflag:s8] =	ssyncset.done $0x0  }
0x1e: {  	[sflag:s8] =	ssyncadd.s32 $0xFFFFC000  }
0x1f: {  	[tilespmem:s9], [sflag:$0x1] =	stream.indirect.gather [hbm4b:s5+s6], $0x80, s6, s6, $0xb8;
	[tilespmem:$0x8100] =	vst v63  }
0x20: {  	_ =	swait.ge [sflag:s8], $0x4000  }
.Ltmp1:
0x21: {  	[sflag:s8] =	ssyncset.done $0x0;
	(pc) =	sbr.rel @p0 .LBB2_1-.Ltmp1, $4  }
0x22: {  	[sflag:s8] =	ssyncadd.s32 $0xFFFFC000  }
0x23: {  	[hbm4b:s10+s2] =	stream.linear.scatter [tilespmem:s7], [sflag:$0x2], $0x8000, $0x38;
	[tilespmem:$0x8100] =	vst v63  }
0x24: {  	_ =	swait.ge [sflag:s3], $0x8000  }
0x25: {  	[sflag:s3] =	ssyncset.done $0x0  }
.LBB2_2:
0x26: {  	[sflag:s3] =	ssyncadd.s32 $0xFFFF8000  }
0x27: {  	_ =	sfence.sel $0x180000  }
0x28: {  	[bflag:$0x0] =	sbarrier.arrive $0xFFFF  }
0x29: {  	p0 =	sne.s32 s0, $0x0;
	_ =	strace $0x9000004A  }
0x2a: {  	s0 =	sadd.s32 @!p0 $0x100000, s1;
	[bflag:$0x2] =	sbarrier.arrive $0xFFFF  }
0x2b: {  	[sflag:s0] =	ssyncadd.tile.s32 @!p0 $0x1;
	_ =	shalt  }
.Lfunc_end2:
_tile_overlayer_lowered:
.L_overlay_start_2:
0x2c: {  	(tag) =	ssettag $0x2  }
0x2d: {  	s0 =	rddreg [dreg:$0x0];
	s2 =	stileid.u32  }
0x2e: {  	s1 =	rddreg [dreg:$0x1];
	p0 =	sne.s32 s2, $0x0  }
0x2f: {  	s3 =	rddreg [dreg:$0x2];
	[bflag:$0x3] =	sbarrier.arrive $0xFFFF;
	s2 =	simm.s32 @!p0 $0x1C02  }
0x30: {  	[timem:s3], [sflag:s2] =	dma.local @!p0 [hbm:s0], s1  }
0x31: {  	s0 =	simm.s32 @!p0 $0x2  }
0x32: {  	_ =	swait.ge @!p0 [sflag:s0], s1  }
0x33: {  	s1 =	ssub.s32 @!p0 $0x0, s1;
	[sflag:s0] =	ssyncset.done @!p0 $0x0  }
0x34: {  	[sflag:s0] =	ssyncadd.s32 @!p0 s1  }
0x35: {  	[bflag:$0x3] =	sbarrier.arrive $0xFFFF  }
0x36: {  	_ =	shalt  }

</sc_bundles>
